<compile_context>
chip_gen: v7x
topology: tpu7x:2x2x1
jax: 0.10.2.dev20260603
libtpu: 0.0.44.dev20260713+nightly
codegen_flags: <defaults>
</compile_context>

<pallas_src>
import math

import jax
import jax.numpy as jnp
from jax import lax
from jax.experimental import pallas as pl
from jax.experimental.pallas import tpu as pltpu
from jax.experimental.pallas import tpu_sc as plsc

N = 10000
E = 320000
D = 128
H = 8
C = 16

NC = 2
NS = 16
L = 16

CHUNK = 80
TILES = NC * NS
EDGES_PER_TILE = E // TILES
NUM_CHUNKS = EDGES_PER_TILE // CHUNK
GROUPS = CHUNK // L
ROWW = 136
ROWS_PER_TILE = N // NS

_INV_SQRT_C = 1.0 / math.sqrt(C)



def _proj_body(x_ref, wq_ref, bq_ref, wk_ref, bk_ref, wv_ref, bv_ref,
               ws_ref, bs_ref, q_ref, kv_ref, skip_ref):
    x = x_ref[...]
    dn = (((1,), (1,)), ((), ()))
    f32 = jnp.float32
    q_ref[...] = lax.dot_general(x, wq_ref[...], dn, preferred_element_type=f32) + bq_ref[...]
    k = lax.dot_general(x, wk_ref[...], dn, preferred_element_type=f32) + bk_ref[...]
    v = lax.dot_general(x, wv_ref[...], dn, preferred_element_type=f32) + bv_ref[...]
    kv_ref[...] = jnp.concatenate([k, v], axis=1)
    skip_ref[...] = x + lax.dot_general(x, ws_ref[...], dn, preferred_element_type=f32) + bs_ref[...]


def _project(x, Wq, bq, Wk, bk, Wv, bv, Wskip, bskip):
    blk = 2000
    grid = (N // blk,)
    full128 = pl.BlockSpec((D, D), lambda i: (0, 0))
    bias = pl.BlockSpec((1, D), lambda i: (0, 0))
    return pl.pallas_call(
        _proj_body,
        grid=grid,
        in_specs=[
            pl.BlockSpec((blk, D), lambda i: (i, 0)),
            full128, bias, full128, bias, full128, bias, full128, bias,
        ],
        out_specs=[
            pl.BlockSpec((blk, D), lambda i: (i, 0)),
            pl.BlockSpec((blk, 2 * D), lambda i: (i, 0)),
            pl.BlockSpec((blk, D), lambda i: (i, 0)),
        ],
        out_shape=[
            jax.ShapeDtypeStruct((N, D), jnp.float32),
            jax.ShapeDtypeStruct((N, 2 * D), jnp.float32),
            jax.ShapeDtypeStruct((N, D), jnp.float32),
        ],
    )(x, Wq, bq.reshape(1, D), Wk, bk.reshape(1, D),
      Wv, bv.reshape(1, D), Wskip, bskip.reshape(1, D))



def _edge_body(q_hbm, kv_hbm, ei_hbm, z_hbm, out_hbm,
               sd0, qd0, kv0, msg0, acc_sh, sem_g0):
    c = lax.axis_index("c")
    s = lax.axis_index("s")

    iota16 = lax.iota(jnp.int32, L)

    base = s * ROWS_PER_TILE
    pltpu.sync_copy(z_hbm, acc_sh.at[pl.ds(base, ROWS_PER_TILE)])
    plsc.subcore_barrier()

    row0 = (c * NS + s) * NUM_CHUNKS

    lane_vecs = [jnp.full((L,), lane, jnp.int32) for lane in range(L)]
    hcols = [h * C + iota16 for h in range(H)]
    last_lane = jnp.full((L,), L - 1, jnp.int32)
    lane0_mask = iota16 == 0
    gdn = lax.GatherDimensionNumbers(offset_dims=(),
                                     collapsed_slice_dims=(0,),
                                     start_index_map=(0,))

    def compute(qd, kvb, msg):
        @plsc.parallel_loop(0, CHUNK, unroll=5)
        def _edge_loop(e):
            ecol = lane_vecs[0] + e
            for h in range(H):
                qh = plsc.load_gather(qd, [ecol, hcols[h]])
                kh = plsc.load_gather(kvb, [ecol, hcols[h]])
                t = plsc.cumsum(qh * kh)
                tot = lax.gather(t, last_lane[:, None], gdn, (1,),
                                 mode=lax.GatherScatterMode.PROMISE_IN_BOUNDS)
                w = jnp.exp(tot * _INV_SQRT_C)
                vh = plsc.load_gather(kvb, [ecol, D + hcols[h]])
                plsc.store_scatter(msg, [ecol, hcols[h]], w * vh)
                plsc.store_scatter(msg, [ecol, lane_vecs[0] + (D + h)],
                                   w, mask=lane0_mask)

    def chunk_body(i, _):
        pltpu.sync_copy(ei_hbm.at[:, row0 + i], sd0)
        cq = pltpu.async_copy(q_hbm.at[sd0.at[1]], qd0, sem_g0)
        ck = pltpu.async_copy(kv_hbm.at[sd0.at[0]], kv0, sem_g0)
        cq.wait()
        ck.wait()
        compute(qd0, kv0, msg0)
        pltpu.sync_copy(msg0, acc_sh.at[sd0.at[1]], add=True)
        return 0

    lax.fori_loop(0, NUM_CHUNKS, chunk_body, 0)

    plsc.subcore_barrier()
    out_base = c * N + base
    pltpu.sync_copy(acc_sh.at[pl.ds(base, ROWS_PER_TILE)],
                    out_hbm.at[pl.ds(out_base, ROWS_PER_TILE)])


def _edge_sc(q, kv, ei3, zeros):
    mesh = plsc.VectorSubcoreMesh(core_axis_name="c", subcore_axis_name="s",
                                  num_cores=NC, num_subcores=NS)
    f = pl.kernel(
        _edge_body,
        out_type=jax.ShapeDtypeStruct((NC * N, ROWW), jnp.float32),
        mesh=mesh,
        scratch_types=[
            pltpu.VMEM((2, CHUNK), jnp.int32),
            pltpu.VMEM((CHUNK, D), jnp.float32),
            pltpu.VMEM((CHUNK, 2 * D), jnp.float32),
            pltpu.VMEM((CHUNK, ROWW), jnp.float32),
            pltpu.VMEM_SHARED((N, ROWW), jnp.float32),
            pltpu.SemaphoreType.DMA,
        ],
        compiler_params=pltpu.CompilerParams(use_tc_tiling_on_sc=False,
                                             needs_layout_passes=False),
    )
    return f(q, kv, ei3, zeros)



def _combine_body(acc_ref, skip_ref, p_ref, out_ref):
    a0 = acc_ref[0]
    a1 = acc_ref[1]
    num = a0[:, :D] + a1[:, :D]
    den = a0[:, D:D + H] + a1[:, D:D + H]
    r = 1.0 / (den + 1e-16)
    rexp = lax.dot_general(r, p_ref[...], (((1,), (0,)), ((), ())),
                           preferred_element_type=jnp.float32)
    out_ref[...] = skip_ref[...] + num * rexp


def _combine(acc, skipx, P):
    blk = 2000
    grid = (N // blk,)
    return pl.pallas_call(
        _combine_body,
        grid=grid,
        in_specs=[
            pl.BlockSpec((NC, blk, ROWW), lambda i: (0, i, 0)),
            pl.BlockSpec((blk, D), lambda i: (i, 0)),
            pl.BlockSpec((H, D), lambda i: (0, 0)),
        ],
        out_specs=pl.BlockSpec((blk, D), lambda i: (i, 0)),
        out_shape=jax.ShapeDtypeStruct((N, D), jnp.float32),
    )(acc, skipx, P)



@jax.jit
def kernel(x, edge_index, Wq, bq, Wk, bk, Wv, bv, Wskip, bskip):
    ei3 = edge_index.astype(jnp.int32).reshape(2, E // CHUNK, CHUNK)
    q, kv, skipx = _project(x, Wq, bq, Wk, bk, Wv, bv, Wskip, bskip)
    zeros = jnp.zeros((ROWS_PER_TILE, ROWW), jnp.float32)
    acc_flat = _edge_sc(q, kv, ei3, zeros)
    acc = acc_flat.reshape(NC, N, ROWW)
    P = jnp.repeat(jnp.eye(H, dtype=jnp.float32), C, axis=1)
    return _combine(acc, skipx, P)

# --- scband reference (transcript-rebuilt; emitter-appended) ---
"""Pipeline reference for scband-mixer-block-833223655539 (READ-ONLY COPY).

The authoritative reference and input builder live on the scoring server;
editing this copy changes nothing except your own understanding.
"""

import jax, jax.numpy as jnp
import numpy as np
import math

N = 10000
E = 320000
D = 128
H = 8
C = D // H

def setup_inputs(seed: int = 0) -> dict:
    key = jax.random.key(seed)
    ks = jax.random.split(key, 12)
    std = 1.0 / math.sqrt(D)
    x = jax.random.normal(ks[0], (N, D), dtype=jnp.float32)
    edge_index = jax.random.randint(ks[1], (2, E), 0, N, dtype=jnp.int64)
    Wq = jax.random.normal(ks[2], (D, D), dtype=jnp.float32) * std
    bq = jnp.zeros((D,), dtype=jnp.float32)
    Wk = jax.random.normal(ks[3], (D, D), dtype=jnp.float32) * std
    bk = jnp.zeros((D,), dtype=jnp.float32)
    Wv = jax.random.normal(ks[4], (D, D), dtype=jnp.float32) * std
    bv = jnp.zeros((D,), dtype=jnp.float32)
    Wskip = jax.random.normal(ks[5], (D, D), dtype=jnp.float32) * std
    bskip = jnp.zeros((D,), dtype=jnp.float32)
    return {"x": x, "edge_index": edge_index, "Wq": Wq, "bq": bq, "Wk": Wk, "bk": bk, "Wv": Wv, "bv": bv, "Wskip": Wskip, "bskip": bskip}

def reference(x, edge_index, Wq, bq, Wk, bk, Wv, bv, Wskip, bskip):
    # TransformerConv(D, D//H, heads=H), concat=True, root_weight=True; MixerBlock: x + conv(x, adj)
    src = edge_index[0]
    dst = edge_index[1]
    q = (x @ Wq.T + bq).reshape(N, H, C)
    k = (x @ Wk.T + bk).reshape(N, H, C)
    v = (x @ Wv.T + bv).reshape(N, H, C)
    # attention logits per edge per head (messages flow src -> dst)
    logits = (q[dst] * k[src]).sum(-1) / math.sqrt(C)  # [E, H]
    m = jax.ops.segment_max(logits, dst, num_segments=N)  # [N, H]
    m = jax.lax.stop_gradient(m)
    ex = jnp.exp(logits - m[dst])
    denom = jax.ops.segment_sum(ex, dst, num_segments=N)  # [N, H]
    alpha = ex / (denom[dst] + 1e-16)  # [E, H]
    msg = v[src] * alpha[..., None]  # [E, H, C]
    out = jax.ops.segment_sum(msg, dst, num_segments=N).reshape(N, D)
    out = out + x @ Wskip.T + bskip  # root weight (skip connection inside conv)
    return x + out

if __name__ == "__main__":
    import jax
    _d = setup_inputs()
    print(jax.jit(kernel)(*tuple(_d.values())))

</pallas_src>

<mosaic_0001>
#map = affine_map<(d0, d1) -> (0, 0)>
#map1 = affine_map<(d0, d1) -> (0, 0, 0)>
module attributes {stable_mosaic.version = 14 : i64} {
  func.func @_edge_body(%arg0: i32, %arg1: i32, %arg2: memref<10000x128xf32, #tpu.memory_space<hbm>>, %arg3: memref<10000x256xf32, #tpu.memory_space<hbm>>, %arg4: memref<2x4000x80xi32, #tpu.memory_space<hbm>>, %arg5: memref<625x136xf32, #tpu.memory_space<hbm>>, %arg6: memref<20000x136xf32, #tpu.memory_space<hbm>>, %arg7: memref<2x80xi32, #tpu.memory_space<vmem>>, %arg8: memref<80x128xf32, #tpu.memory_space<vmem>>, %arg9: memref<80x256xf32, #tpu.memory_space<vmem>>, %arg10: memref<80x136xf32, #tpu.memory_space<vmem>>, %arg11: memref<10000x136xf32, #tpu.memory_space<vmem_shared>>, %arg12: memref<!tpu.dma_semaphore, #tpu.memory_space<semaphore_mem>>) attributes {dimension_semantics = [#tpu.dimension_semantics<core_parallel>, #tpu.dimension_semantics<subcore_parallel>], iteration_bounds = array<i64: 2, 16>, scalar_prefetch = 0 : i64, scratch_operands = 6 : i64, tpu.core_type = #tpu.core_type<sc_vector_subcore>, window_params = [{transform_indices = #map}, {transform_indices = #map}, {transform_indices = #map1}, {transform_indices = #map}, {transform_indices = #map}]} {
    %iota3A = tpu.iota {dimensions = array<i32: 0>} : vector<16xi32>
    %mul3A = arith.constant 625 : i32
    %mul3A_0 = arith.muli %arg1, %mul3A : i32
    "tpu.region"() ({
      %run_scoped3A = tpu.sem_alloc : memref<!tpu.dma_semaphore, #tpu.memory_space<semaphore_mem>>
      %dma_start3A = arith.constant 0 : i32
      %dma_start3A_74 = tpu.memref_slice %arg11[%mul3A_0, %dma_start3A] : memref<10000x136xf32, #tpu.memory_space<vmem_shared>> -> memref<625x136xf32, #tpu.memory_space<vmem_shared>>
      tpu.enqueue_dma source(%arg5 : memref<625x136xf32, #tpu.memory_space<hbm>>) target(%dma_start3A_74 : memref<625x136xf32, #tpu.memory_space<vmem_shared>>) target_semaphore(%run_scoped3A : memref<!tpu.dma_semaphore, #tpu.memory_space<semaphore_mem>>)
      %dma_wait3A = arith.constant 0 : i32
      %dma_wait3A_75 = tpu.memref_slice %arg11[%mul3A_0, %dma_wait3A] : memref<10000x136xf32, #tpu.memory_space<vmem_shared>> -> memref<625x136xf32, #tpu.memory_space<vmem_shared>>
      tpu.wait_dma2 semaphore(%run_scoped3A : memref<!tpu.dma_semaphore, #tpu.memory_space<semaphore_mem>>) src(%arg5 : memref<625x136xf32, #tpu.memory_space<hbm>>) dst(%dma_wait3A_75 : memref<625x136xf32, #tpu.memory_space<vmem_shared>>)
      tpu.yield
    }) : () -> ()
    %barrier3A = arith.constant 0 : index
    tpu.barrier barrier_id(%barrier3A)
    %mul3A_1 = arith.constant 16 : i32
    %mul3A_2 = arith.muli %arg0, %mul3A_1 : i32
    %add3A = arith.addi %mul3A_2, %arg1 : i32
    %mul3A_3 = arith.constant 125 : i32
    %mul3A_4 = arith.muli %add3A, %mul3A_3 : i32
    %broadcast_in_dim3A = arith.constant 0 : i32
    %broadcast_in_dim3A_5 = vector.broadcast %broadcast_in_dim3A : i32 to vector<16xi32>
    %broadcast_in_dim3A_6 = arith.constant 1 : i32
    %broadcast_in_dim3A_7 = vector.broadcast %broadcast_in_dim3A_6 : i32 to vector<16xi32>
    %broadcast_in_dim3A_8 = arith.constant 2 : i32
    %broadcast_in_dim3A_9 = vector.broadcast %broadcast_in_dim3A_8 : i32 to vector<16xi32>
    %broadcast_in_dim3A_10 = arith.constant 3 : i32
    %broadcast_in_dim3A_11 = vector.broadcast %broadcast_in_dim3A_10 : i32 to vector<16xi32>
    %broadcast_in_dim3A_12 = arith.constant 4 : i32
    %broadcast_in_dim3A_13 = vector.broadcast %broadcast_in_dim3A_12 : i32 to vector<16xi32>
    %broadcast_in_dim3A_14 = arith.constant 5 : i32
    %broadcast_in_dim3A_15 = vector.broadcast %broadcast_in_dim3A_14 : i32 to vector<16xi32>
    %broadcast_in_dim3A_16 = arith.constant 6 : i32
    %broadcast_in_dim3A_17 = vector.broadcast %broadcast_in_dim3A_16 : i32 to vector<16xi32>
    %broadcast_in_dim3A_18 = arith.constant 7 : i32
    %broadcast_in_dim3A_19 = vector.broadcast %broadcast_in_dim3A_18 : i32 to vector<16xi32>
    %broadcast_in_dim3A_20 = arith.constant 8 : i32
    %broadcast_in_dim3A_21 = vector.broadcast %broadcast_in_dim3A_20 : i32 to vector<16xi32>
    %broadcast_in_dim3A_22 = arith.constant 9 : i32
    %broadcast_in_dim3A_23 = vector.broadcast %broadcast_in_dim3A_22 : i32 to vector<16xi32>
    %broadcast_in_dim3A_24 = arith.constant 10 : i32
    %broadcast_in_dim3A_25 = vector.broadcast %broadcast_in_dim3A_24 : i32 to vector<16xi32>
    %broadcast_in_dim3A_26 = arith.constant 11 : i32
    %broadcast_in_dim3A_27 = vector.broadcast %broadcast_in_dim3A_26 : i32 to vector<16xi32>
    %broadcast_in_dim3A_28 = arith.constant 12 : i32
    %broadcast_in_dim3A_29 = vector.broadcast %broadcast_in_dim3A_28 : i32 to vector<16xi32>
    %broadcast_in_dim3A_30 = arith.constant 13 : i32
    %broadcast_in_dim3A_31 = vector.broadcast %broadcast_in_dim3A_30 : i32 to vector<16xi32>
    %broadcast_in_dim3A_32 = arith.constant 14 : i32
    %broadcast_in_dim3A_33 = vector.broadcast %broadcast_in_dim3A_32 : i32 to vector<16xi32>
    %broadcast_in_dim3A_34 = arith.constant 15 : i32
    %broadcast_in_dim3A_35 = vector.broadcast %broadcast_in_dim3A_34 : i32 to vector<16xi32>
    %add3A_36 = arith.constant 0 : i32
    %add3A_37 = vector.broadcast %add3A_36 : i32 to vector<16xi32>
    %add3A_38 = arith.addi %add3A_37, %iota3A : vector<16xi32>
    %add3A_39 = arith.constant 16 : i32
    %add3A_40 = vector.broadcast %add3A_39 : i32 to vector<16xi32>
    %add3A_41 = arith.addi %add3A_40, %iota3A : vector<16xi32>
    %add3A_42 = arith.constant 32 : i32
    %add3A_43 = vector.broadcast %add3A_42 : i32 to vector<16xi32>
    %add3A_44 = arith.addi %add3A_43, %iota3A : vector<16xi32>
    %add3A_45 = arith.constant 48 : i32
    %add3A_46 = vector.broadcast %add3A_45 : i32 to vector<16xi32>
    %add3A_47 = arith.addi %add3A_46, %iota3A : vector<16xi32>
    %add3A_48 = arith.constant 64 : i32
    %add3A_49 = vector.broadcast %add3A_48 : i32 to vector<16xi32>
    %add3A_50 = arith.addi %add3A_49, %iota3A : vector<16xi32>
    %add3A_51 = arith.constant 80 : i32
    %add3A_52 = vector.broadcast %add3A_51 : i32 to vector<16xi32>
    %add3A_53 = arith.addi %add3A_52, %iota3A : vector<16xi32>
    %add3A_54 = arith.constant 96 : i32
    %add3A_55 = vector.broadcast %add3A_54 : i32 to vector<16xi32>
    %add3A_56 = arith.addi %add3A_55, %iota3A : vector<16xi32>
    %add3A_57 = arith.constant 112 : i32
    %add3A_58 = vector.broadcast %add3A_57 : i32 to vector<16xi32>
    %add3A_59 = arith.addi %add3A_58, %iota3A : vector<16xi32>
    %broadcast_in_dim3A_60 = arith.constant 15 : i32
    %broadcast_in_dim3A_61 = vector.broadcast %broadcast_in_dim3A_60 : i32 to vector<16xi32>
    %eq3A = arith.constant 0 : i32
    %eq3A_62 = vector.broadcast %eq3A : i32 to vector<16xi32>
    %eq3A_63 = arith.cmpi eq, %iota3A, %eq3A_62 : vector<16xi32>
    %scan3A = arith.constant 0 : i32
    %scan3A_64 = arith.constant 0 : i32
    %scan3A_65 = arith.constant 125 : i32
    %scan3A_66 = arith.addi %scan3A_64, %scan3A_65 : i32
    %scan3A_67 = arith.constant 1 : i32
    %scan3A_68 = scf.for %scan3A_74 = %scan3A_64 to %scan3A_66 step %scan3A_67 iter_args(%scan3A_75 = %scan3A) -> (i32)  : i32 {
      %add3A_76 = arith.addi %mul3A_4, %scan3A_74 : i32
      "tpu.region"() ({
        %run_scoped3A_106 = tpu.sem_alloc : memref<!tpu.dma_semaphore, #tpu.memory_space<semaphore_mem>>
        %dma_start3A_107 = arith.constant 0 : i32
        %dma_start3A_108 = arith.constant 0 : i32
        %dma_start3A_109 = tpu.memref_slice %arg4[%dma_start3A_107, %add3A_76, %dma_start3A_108] : memref<2x4000x80xi32, #tpu.memory_space<hbm>> -> memref<2x1x80xi32, #tpu.memory_space<hbm>>
        %dma_start3A_110 = tpu.memref_squeeze %dma_start3A_109 : memref<2x1x80xi32, #tpu.memory_space<hbm>> -> memref<2x80xi32, #tpu.memory_space<hbm>>
        %dma_start3A_111 = arith.constant 0 : i32
        %dma_start3A_112 = arith.constant 0 : i32
        %dma_start3A_113 = tpu.memref_slice %arg4[%dma_start3A_111, %add3A_76, %dma_start3A_112] : memref<2x4000x80xi32, #tpu.memory_space<hbm>> -> memref<2x1x80xi32, #tpu.memory_space<hbm>>
        %dma_start3A_114 = tpu.memref_squeeze %dma_start3A_113 : memref<2x1x80xi32, #tpu.memory_space<hbm>> -> memref<2x80xi32, #tpu.memory_space<hbm>>
        tpu.enqueue_dma source(%dma_start3A_114 : memref<2x80xi32, #tpu.memory_space<hbm>>) target(%arg7 : memref<2x80xi32, #tpu.memory_space<vmem>>) target_semaphore(%run_scoped3A_106 : memref<!tpu.dma_semaphore, #tpu.memory_space<semaphore_mem>>)
        %dma_wait3A_115 = arith.constant 0 : i32
        %dma_wait3A_116 = arith.constant 0 : i32
        %dma_wait3A_117 = tpu.memref_slice %arg4[%dma_wait3A_115, %add3A_76, %dma_wait3A_116] : memref<2x4000x80xi32, #tpu.memory_space<hbm>> -> memref<2x1x80xi32, #tpu.memory_space<hbm>>
        %dma_wait3A_118 = tpu.memref_squeeze %dma_wait3A_117 : memref<2x1x80xi32, #tpu.memory_space<hbm>> -> memref<2x80xi32, #tpu.memory_space<hbm>>
        %dma_wait3A_119 = arith.constant 0 : i32
        %dma_wait3A_120 = arith.constant 0 : i32
        %dma_wait3A_121 = tpu.memref_slice %arg4[%dma_wait3A_119, %add3A_76, %dma_wait3A_120] : memref<2x4000x80xi32, #tpu.memory_space<hbm>> -> memref<2x1x80xi32, #tpu.memory_space<hbm>>
        %dma_wait3A_122 = tpu.memref_squeeze %dma_wait3A_121 : memref<2x1x80xi32, #tpu.memory_space<hbm>> -> memref<2x80xi32, #tpu.memory_space<hbm>>
        tpu.wait_dma2 semaphore(%run_scoped3A_106 : memref<!tpu.dma_semaphore, #tpu.memory_space<semaphore_mem>>) src(%dma_wait3A_122 : memref<2x80xi32, #tpu.memory_space<hbm>>) dst(%arg7 : memref<2x80xi32, #tpu.memory_space<vmem>>)
        tpu.yield
      }) : () -> ()
      %dma_start3A = arith.constant 1 : i32
      %dma_start3A_77 = arith.constant 0 : i32
      %dma_start3A_78 = tpu.memref_slice %arg7[%dma_start3A, %dma_start3A_77] : memref<2x80xi32, #tpu.memory_space<vmem>> -> memref<1x80xi32, #tpu.memory_space<vmem>>
      %dma_start3A_79 = tpu.memref_squeeze %dma_start3A_78 : memref<1x80xi32, #tpu.memory_space<vmem>> -> memref<80xi32, #tpu.memory_space<vmem>>
      %dma_start3A_80 = arith.constant 0 : i32
      %dma_start3A_81 = arith.constant 0 : i32
      %dma_start3A_82 = tpu.memref_slice %arg2[%dma_start3A_80, %dma_start3A_81] : memref<10000x128xf32, #tpu.memory_space<hbm>> -> memref<10000x128xf32, #tpu.memory_space<hbm>>
      tpu.enqueue_indirect_dma source(%dma_start3A_82 : memref<10000x128xf32, #tpu.memory_space<hbm>>) target(%arg8 : memref<80x128xf32, #tpu.memory_space<vmem>>) offsets(%dma_start3A_79 : memref<80xi32, #tpu.memory_space<vmem>>) semaphore(%arg12 : memref<!tpu.dma_semaphore, #tpu.memory_space<semaphore_mem>>)
      %dma_start3A_83 = arith.constant 0 : i32
      %dma_start3A_84 = arith.constant 0 : i32
      %dma_start3A_85 = tpu.memref_slice %arg7[%dma_start3A_83, %dma_start3A_84] : memref<2x80xi32, #tpu.memory_space<vmem>> -> memref<1x80xi32, #tpu.memory_space<vmem>>
      %dma_start3A_86 = tpu.memref_squeeze %dma_start3A_85 : memref<1x80xi32, #tpu.memory_space<vmem>> -> memref<80xi32, #tpu.memory_space<vmem>>
      %dma_start3A_87 = arith.constant 0 : i32
      %dma_start3A_88 = arith.constant 0 : i32
      %dma_start3A_89 = tpu.memref_slice %arg3[%dma_start3A_87, %dma_start3A_88] : memref<10000x256xf32, #tpu.memory_space<hbm>> -> memref<10000x256xf32, #tpu.memory_space<hbm>>
      tpu.enqueue_indirect_dma source(%dma_start3A_89 : memref<10000x256xf32, #tpu.memory_space<hbm>>) target(%arg9 : memref<80x256xf32, #tpu.memory_space<vmem>>) offsets(%dma_start3A_86 : memref<80xi32, #tpu.memory_space<vmem>>) semaphore(%arg12 : memref<!tpu.dma_semaphore, #tpu.memory_space<semaphore_mem>>)
      %dma_wait3A = arith.constant 1 : i32
      %dma_wait3A_90 = arith.constant 0 : i32
      %dma_wait3A_91 = tpu.memref_slice %arg7[%dma_wait3A, %dma_wait3A_90] : memref<2x80xi32, #tpu.memory_space<vmem>> -> memref<1x80xi32, #tpu.memory_space<vmem>>
      %dma_wait3A_92 = tpu.memref_squeeze %dma_wait3A_91 : memref<1x80xi32, #tpu.memory_space<vmem>> -> memref<80xi32, #tpu.memory_space<vmem>>
      %dma_wait3A_93 = arith.constant 0 : i32
      %dma_wait3A_94 = arith.constant 0 : i32
      %dma_wait3A_95 = tpu.memref_slice %arg2[%dma_wait3A_93, %dma_wait3A_94] : memref<10000x128xf32, #tpu.memory_space<hbm>> -> memref<10000x128xf32, #tpu.memory_space<hbm>>
      tpu.wait_indirect_dma semaphore(%arg12 : memref<!tpu.dma_semaphore, #tpu.memory_space<semaphore_mem>>) src(%dma_wait3A_95 : memref<10000x128xf32, #tpu.memory_space<hbm>>) dst(%arg8 : memref<80x128xf32, #tpu.memory_space<vmem>>)
      %dma_wait3A_96 = arith.constant 0 : i32
      %dma_wait3A_97 = arith.constant 0 : i32
      %dma_wait3A_98 = tpu.memref_slice %arg7[%dma_wait3A_96, %dma_wait3A_97] : memref<2x80xi32, #tpu.memory_space<vmem>> -> memref<1x80xi32, #tpu.memory_space<vmem>>
      %dma_wait3A_99 = tpu.memref_squeeze %dma_wait3A_98 : memref<1x80xi32, #tpu.memory_space<vmem>> -> memref<80xi32, #tpu.memory_space<vmem>>
      %dma_wait3A_100 = arith.constant 0 : i32
      %dma_wait3A_101 = arith.constant 0 : i32
      %dma_wait3A_102 = tpu.memref_slice %arg3[%dma_wait3A_100, %dma_wait3A_101] : memref<10000x256xf32, #tpu.memory_space<hbm>> -> memref<10000x256xf32, #tpu.memory_space<hbm>>
      tpu.wait_indirect_dma semaphore(%arg12 : memref<!tpu.dma_semaphore, #tpu.memory_space<semaphore_mem>>) src(%dma_wait3A_102 : memref<10000x256xf32, #tpu.memory_space<hbm>>) dst(%arg9 : memref<80x256xf32, #tpu.memory_space<vmem>>)
      %parallel_loop3A = arith.constant 0 : i32
      %parallel_loop3A_103 = arith.constant 80 : i32
      %parallel_loop3A_104 = arith.constant 1 : i32
      scf.for %parallel_loop3A_106 = %parallel_loop3A to %parallel_loop3A_103 step %parallel_loop3A_104  : i32 {
        %parallel_loop3A_107 = vector.broadcast %parallel_loop3A_106 : i32 to vector<16xi32>
        %parallel_loop3A_108 = arith.addi %broadcast_in_dim3A_5, %parallel_loop3A_107 : vector<16xi32>
        %parallel_loop3A_109 = tpu.vector_load_idx %arg8[%parallel_loop3A_108, %add3A_38] : memref<80x128xf32, #tpu.memory_space<vmem>>[vector<16xi32>, vector<16xi32>], vector<16xf32>,
        %parallel_loop3A_110 = tpu.vector_load_idx %arg9[%parallel_loop3A_108, %add3A_38] : memref<80x256xf32, #tpu.memory_space<vmem>>[vector<16xi32>, vector<16xi32>], vector<16xf32>,
        %parallel_loop3A_111 = arith.mulf %parallel_loop3A_109, %parallel_loop3A_110 : vector<16xf32>
        %parallel_loop3A_112 = arith.constant true
        %parallel_loop3A_113 = vector.broadcast %parallel_loop3A_112 : i1 to vector<16xi1>
        %parallel_loop3A_114 = tpu.scan <sum>, %parallel_loop3A_111 masked %parallel_loop3A_113 : vector<16xf32>, vector<16xi1> -> vector<16xf32>
        %parallel_loop3A_115 = vector.shape_cast %broadcast_in_dim3A_61 : vector<16xi32> to vector<16x1xi32>
        %parallel_loop3A_116 = vector.shape_cast %parallel_loop3A_115 : vector<16x1xi32> to vector<16xi32>
        %parallel_loop3A_117 = tpu.dynamic_gather %parallel_loop3A_114[%parallel_loop3A_116] in [0] : vector<16xf32>, vector<16xi32> -> vector<16xf32>
        %parallel_loop3A_118 = arith.constant 2.500000e-01 : f32
        %parallel_loop3A_119 = vector.broadcast %parallel_loop3A_118 : f32 to vector<16xf32>
        %parallel_loop3A_120 = arith.mulf %parallel_loop3A_117, %parallel_loop3A_119 : vector<16xf32>
        %parallel_loop3A_121 = math.exp %parallel_loop3A_120 : vector<16xf32>
        %parallel_loop3A_122 = arith.constant 128 : i32
        %parallel_loop3A_123 = vector.broadcast %parallel_loop3A_122 : i32 to vector<16xi32>
        %parallel_loop3A_124 = arith.addi %parallel_loop3A_123, %add3A_38 : vector<16xi32>
        %parallel_loop3A_125 = tpu.vector_load_idx %arg9[%parallel_loop3A_108, %parallel_loop3A_124] : memref<80x256xf32, #tpu.memory_space<vmem>>[vector<16xi32>, vector<16xi32>], vector<16xf32>,
        %parallel_loop3A_126 = arith.mulf %parallel_loop3A_121, %parallel_loop3A_125 : vector<16xf32>
        tpu.vector_store_idx %arg10[%parallel_loop3A_108, %add3A_38], %parallel_loop3A_126 : memref<80x136xf32, #tpu.memory_space<vmem>>[vector<16xi32>, vector<16xi32>], vector<16xf32>,
        %parallel_loop3A_127 = arith.constant 128 : i32
        %parallel_loop3A_128 = vector.broadcast %parallel_loop3A_127 : i32 to vector<16xi32>
        %parallel_loop3A_129 = arith.addi %broadcast_in_dim3A_5, %parallel_loop3A_128 : vector<16xi32>
        tpu.vector_store_idx %arg10[%parallel_loop3A_108, %parallel_loop3A_129], %parallel_loop3A_121 masked %eq3A_63 : memref<80x136xf32, #tpu.memory_space<vmem>>[vector<16xi32>, vector<16xi32>], vector<16xf32>, vector<16xi1>
        %parallel_loop3A_130 = tpu.vector_load_idx %arg8[%parallel_loop3A_108, %add3A_41] : memref<80x128xf32, #tpu.memory_space<vmem>>[vector<16xi32>, vector<16xi32>], vector<16xf32>,
        %parallel_loop3A_131 = tpu.vector_load_idx %arg9[%parallel_loop3A_108, %add3A_41] : memref<80x256xf32, #tpu.memory_space<vmem>>[vector<16xi32>, vector<16xi32>], vector<16xf32>,
        %parallel_loop3A_132 = arith.mulf %parallel_loop3A_130, %parallel_loop3A_131 : vector<16xf32>
        %parallel_loop3A_133 = arith.constant true
        %parallel_loop3A_134 = vector.broadcast %parallel_loop3A_133 : i1 to vector<16xi1>
        %parallel_loop3A_135 = tpu.scan <sum>, %parallel_loop3A_132 masked %parallel_loop3A_134 : vector<16xf32>, vector<16xi1> -> vector<16xf32>
        %parallel_loop3A_136 = vector.shape_cast %broadcast_in_dim3A_61 : vector<16xi32> to vector<16x1xi32>
        %parallel_loop3A_137 = vector.shape_cast %parallel_loop3A_136 : vector<16x1xi32> to vector<16xi32>
        %parallel_loop3A_138 = tpu.dynamic_gather %parallel_loop3A_135[%parallel_loop3A_137] in [0] : vector<16xf32>, vector<16xi32> -> vector<16xf32>
        %parallel_loop3A_139 = arith.constant 2.500000e-01 : f32
        %parallel_loop3A_140 = vector.broadcast %parallel_loop3A_139 : f32 to vector<16xf32>
        %parallel_loop3A_141 = arith.mulf %parallel_loop3A_138, %parallel_loop3A_140 : vector<16xf32>
        %parallel_loop3A_142 = math.exp %parallel_loop3A_141 : vector<16xf32>
        %parallel_loop3A_143 = arith.constant 128 : i32
        %parallel_loop3A_144 = vector.broadcast %parallel_loop3A_143 : i32 to vector<16xi32>
        %parallel_loop3A_145 = arith.addi %parallel_loop3A_144, %add3A_41 : vector<16xi32>
        %parallel_loop3A_146 = tpu.vector_load_idx %arg9[%parallel_loop3A_108, %parallel_loop3A_145] : memref<80x256xf32, #tpu.memory_space<vmem>>[vector<16xi32>, vector<16xi32>], vector<16xf32>,
        %parallel_loop3A_147 = arith.mulf %parallel_loop3A_142, %parallel_loop3A_146 : vector<16xf32>
        tpu.vector_store_idx %arg10[%parallel_loop3A_108, %add3A_41], %parallel_loop3A_147 : memref<80x136xf32, #tpu.memory_space<vmem>>[vector<16xi32>, vector<16xi32>], vector<16xf32>,
        %parallel_loop3A_148 = arith.constant 129 : i32
        %parallel_loop3A_149 = vector.broadcast %parallel_loop3A_148 : i32 to vector<16xi32>
        %parallel_loop3A_150 = arith.addi %broadcast_in_dim3A_5, %parallel_loop3A_149 : vector<16xi32>
        tpu.vector_store_idx %arg10[%parallel_loop3A_108, %parallel_loop3A_150], %parallel_loop3A_142 masked %eq3A_63 : memref<80x136xf32, #tpu.memory_space<vmem>>[vector<16xi32>, vector<16xi32>], vector<16xf32>, vector<16xi1>
        %parallel_loop3A_151 = tpu.vector_load_idx %arg8[%parallel_loop3A_108, %add3A_44] : memref<80x128xf32, #tpu.memory_space<vmem>>[vector<16xi32>, vector<16xi32>], vector<16xf32>,
        %parallel_loop3A_152 = tpu.vector_load_idx %arg9[%parallel_loop3A_108, %add3A_44] : memref<80x256xf32, #tpu.memory_space<vmem>>[vector<16xi32>, vector<16xi32>], vector<16xf32>,
        %parallel_loop3A_153 = arith.mulf %parallel_loop3A_151, %parallel_loop3A_152 : vector<16xf32>
        %parallel_loop3A_154 = arith.constant true
        %parallel_loop3A_155 = vector.broadcast %parallel_loop3A_154 : i1 to vector<16xi1>
        %parallel_loop3A_156 = tpu.scan <sum>, %parallel_loop3A_153 masked %parallel_loop3A_155 : vector<16xf32>, vector<16xi1> -> vector<16xf32>
        %parallel_loop3A_157 = vector.shape_cast %broadcast_in_dim3A_61 : vector<16xi32> to vector<16x1xi32>
        %parallel_loop3A_158 = vector.shape_cast %parallel_loop3A_157 : vector<16x1xi32> to vector<16xi32>
        %parallel_loop3A_159 = tpu.dynamic_gather %parallel_loop3A_156[%parallel_loop3A_158] in [0] : vector<16xf32>, vector<16xi32> -> vector<16xf32>
        %parallel_loop3A_160 = arith.constant 2.500000e-01 : f32
        %parallel_loop3A_161 = vector.broadcast %parallel_loop3A_160 : f32 to vector<16xf32>
        %parallel_loop3A_162 = arith.mulf %parallel_loop3A_159, %parallel_loop3A_161 : vector<16xf32>
        %parallel_loop3A_163 = math.exp %parallel_loop3A_162 : vector<16xf32>
        %parallel_loop3A_164 = arith.constant 128 : i32
        %parallel_loop3A_165 = vector.broadcast %parallel_loop3A_164 : i32 to vector<16xi32>
        %parallel_loop3A_166 = arith.addi %parallel_loop3A_165, %add3A_44 : vector<16xi32>
        %parallel_loop3A_167 = tpu.vector_load_idx %arg9[%parallel_loop3A_108, %parallel_loop3A_166] : memref<80x256xf32, #tpu.memory_space<vmem>>[vector<16xi32>, vector<16xi32>], vector<16xf32>,
        %parallel_loop3A_168 = arith.mulf %parallel_loop3A_163, %parallel_loop3A_167 : vector<16xf32>
        tpu.vector_store_idx %arg10[%parallel_loop3A_108, %add3A_44], %parallel_loop3A_168 : memref<80x136xf32, #tpu.memory_space<vmem>>[vector<16xi32>, vector<16xi32>], vector<16xf32>,
        %parallel_loop3A_169 = arith.constant 130 : i32
        %parallel_loop3A_170 = vector.broadcast %parallel_loop3A_169 : i32 to vector<16xi32>
        %parallel_loop3A_171 = arith.addi %broadcast_in_dim3A_5, %parallel_loop3A_170 : vector<16xi32>
        tpu.vector_store_idx %arg10[%parallel_loop3A_108, %parallel_loop3A_171], %parallel_loop3A_163 masked %eq3A_63 : memref<80x136xf32, #tpu.memory_space<vmem>>[vector<16xi32>, vector<16xi32>], vector<16xf32>, vector<16xi1>
        %parallel_loop3A_172 = tpu.vector_load_idx %arg8[%parallel_loop3A_108, %add3A_47] : memref<80x128xf32, #tpu.memory_space<vmem>>[vector<16xi32>, vector<16xi32>], vector<16xf32>,
        %parallel_loop3A_173 = tpu.vector_load_idx %arg9[%parallel_loop3A_108, %add3A_47] : memref<80x256xf32, #tpu.memory_space<vmem>>[vector<16xi32>, vector<16xi32>], vector<16xf32>,
        %parallel_loop3A_174 = arith.mulf %parallel_loop3A_172, %parallel_loop3A_173 : vector<16xf32>
        %parallel_loop3A_175 = arith.constant true
        %parallel_loop3A_176 = vector.broadcast %parallel_loop3A_175 : i1 to vector<16xi1>
        %parallel_loop3A_177 = tpu.scan <sum>, %parallel_loop3A_174 masked %parallel_loop3A_176 : vector<16xf32>, vector<16xi1> -> vector<16xf32>
        %parallel_loop3A_178 = vector.shape_cast %broadcast_in_dim3A_61 : vector<16xi32> to vector<16x1xi32>
        %parallel_loop3A_179 = vector.shape_cast %parallel_loop3A_178 : vector<16x1xi32> to vector<16xi32>
        %parallel_loop3A_180 = tpu.dynamic_gather %parallel_loop3A_177[%parallel_loop3A_179] in [0] : vector<16xf32>, vector<16xi32> -> vector<16xf32>
        %parallel_loop3A_181 = arith.constant 2.500000e-01 : f32
        %parallel_loop3A_182 = vector.broadcast %parallel_loop3A_181 : f32 to vector<16xf32>
        %parallel_loop3A_183 = arith.mulf %parallel_loop3A_180, %parallel_loop3A_182 : vector<16xf32>
        %parallel_loop3A_184 = math.exp %parallel_loop3A_183 : vector<16xf32>
        %parallel_loop3A_185 = arith.constant 128 : i32
        %parallel_loop3A_186 = vector.broadcast %parallel_loop3A_185 : i32 to vector<16xi32>
        %parallel_loop3A_187 = arith.addi %parallel_loop3A_186, %add3A_47 : vector<16xi32>
        %parallel_loop3A_188 = tpu.vector_load_idx %arg9[%parallel_loop3A_108, %parallel_loop3A_187] : memref<80x256xf32, #tpu.memory_space<vmem>>[vector<16xi32>, vector<16xi32>], vector<16xf32>,
        %parallel_loop3A_189 = arith.mulf %parallel_loop3A_184, %parallel_loop3A_188 : vector<16xf32>
        tpu.vector_store_idx %arg10[%parallel_loop3A_108, %add3A_47], %parallel_loop3A_189 : memref<80x136xf32, #tpu.memory_space<vmem>>[vector<16xi32>, vector<16xi32>], vector<16xf32>,
        %parallel_loop3A_190 = arith.constant 131 : i32
        %parallel_loop3A_191 = vector.broadcast %parallel_loop3A_190 : i32 to vector<16xi32>
        %parallel_loop3A_192 = arith.addi %broadcast_in_dim3A_5, %parallel_loop3A_191 : vector<16xi32>
        tpu.vector_store_idx %arg10[%parallel_loop3A_108, %parallel_loop3A_192], %parallel_loop3A_184 masked %eq3A_63 : memref<80x136xf32, #tpu.memory_space<vmem>>[vector<16xi32>, vector<16xi32>], vector<16xf32>, vector<16xi1>
        %parallel_loop3A_193 = tpu.vector_load_idx %arg8[%parallel_loop3A_108, %add3A_50] : memref<80x128xf32, #tpu.memory_space<vmem>>[vector<16xi32>, vector<16xi32>], vector<16xf32>,
        %parallel_loop3A_194 = tpu.vector_load_idx %arg9[%parallel_loop3A_108, %add3A_50] : memref<80x256xf32, #tpu.memory_space<vmem>>[vector<16xi32>, vector<16xi32>], vector<16xf32>,
        %parallel_loop3A_195 = arith.mulf %parallel_loop3A_193, %parallel_loop3A_194 : vector<16xf32>
        %parallel_loop3A_196 = arith.constant true
        %parallel_loop3A_197 = vector.broadcast %parallel_loop3A_196 : i1 to vector<16xi1>
        %parallel_loop3A_198 = tpu.scan <sum>, %parallel_loop3A_195 masked %parallel_loop3A_197 : vector<16xf32>, vector<16xi1> -> vector<16xf32>
        %parallel_loop3A_199 = vector.shape_cast %broadcast_in_dim3A_61 : vector<16xi32> to vector<16x1xi32>
        %parallel_loop3A_200 = vector.shape_cast %parallel_loop3A_199 : vector<16x1xi32> to vector<16xi32>
        %parallel_loop3A_201 = tpu.dynamic_gather %parallel_loop3A_198[%parallel_loop3A_200] in [0] : vector<16xf32>, vector<16xi32> -> vector<16xf32>
        %parallel_loop3A_202 = arith.constant 2.500000e-01 : f32
        %parallel_loop3A_203 = vector.broadcast %parallel_loop3A_202 : f32 to vector<16xf32>
        %parallel_loop3A_204 = arith.mulf %parallel_loop3A_201, %parallel_loop3A_203 : vector<16xf32>
        %parallel_loop3A_205 = math.exp %parallel_loop3A_204 : vector<16xf32>
        %parallel_loop3A_206 = arith.constant 128 : i32
        %parallel_loop3A_207 = vector.broadcast %parallel_loop3A_206 : i32 to vector<16xi32>
        %parallel_loop3A_208 = arith.addi %parallel_loop3A_207, %add3A_50 : vector<16xi32>
        %parallel_loop3A_209 = tpu.vector_load_idx %arg9[%parallel_loop3A_108, %parallel_loop3A_208] : memref<80x256xf32, #tpu.memory_space<vmem>>[vector<16xi32>, vector<16xi32>], vector<16xf32>,
        %parallel_loop3A_210 = arith.mulf %parallel_loop3A_205, %parallel_loop3A_209 : vector<16xf32>
        tpu.vector_store_idx %arg10[%parallel_loop3A_108, %add3A_50], %parallel_loop3A_210 : memref<80x136xf32, #tpu.memory_space<vmem>>[vector<16xi32>, vector<16xi32>], vector<16xf32>,
        %parallel_loop3A_211 = arith.constant 132 : i32
        %parallel_loop3A_212 = vector.broadcast %parallel_loop3A_211 : i32 to vector<16xi32>
        %parallel_loop3A_213 = arith.addi %broadcast_in_dim3A_5, %parallel_loop3A_212 : vector<16xi32>
        tpu.vector_store_idx %arg10[%parallel_loop3A_108, %parallel_loop3A_213], %parallel_loop3A_205 masked %eq3A_63 : memref<80x136xf32, #tpu.memory_space<vmem>>[vector<16xi32>, vector<16xi32>], vector<16xf32>, vector<16xi1>
        %parallel_loop3A_214 = tpu.vector_load_idx %arg8[%parallel_loop3A_108, %add3A_53] : memref<80x128xf32, #tpu.memory_space<vmem>>[vector<16xi32>, vector<16xi32>], vector<16xf32>,
        %parallel_loop3A_215 = tpu.vector_load_idx %arg9[%parallel_loop3A_108, %add3A_53] : memref<80x256xf32, #tpu.memory_space<vmem>>[vector<16xi32>, vector<16xi32>], vector<16xf32>,
        %parallel_loop3A_216 = arith.mulf %parallel_loop3A_214, %parallel_loop3A_215 : vector<16xf32>
        %parallel_loop3A_217 = arith.constant true
        %parallel_loop3A_218 = vector.broadcast %parallel_loop3A_217 : i1 to vector<16xi1>
        %parallel_loop3A_219 = tpu.scan <sum>, %parallel_loop3A_216 masked %parallel_loop3A_218 : vector<16xf32>, vector<16xi1> -> vector<16xf32>
        %parallel_loop3A_220 = vector.shape_cast %broadcast_in_dim3A_61 : vector<16xi32> to vector<16x1xi32>
        %parallel_loop3A_221 = vector.shape_cast %parallel_loop3A_220 : vector<16x1xi32> to vector<16xi32>
        %parallel_loop3A_222 = tpu.dynamic_gather %parallel_loop3A_219[%parallel_loop3A_221] in [0] : vector<16xf32>, vector<16xi32> -> vector<16xf32>
        %parallel_loop3A_223 = arith.constant 2.500000e-01 : f32
        %parallel_loop3A_224 = vector.broadcast %parallel_loop3A_223 : f32 to vector<16xf32>
        %parallel_loop3A_225 = arith.mulf %parallel_loop3A_222, %parallel_loop3A_224 : vector<16xf32>
        %parallel_loop3A_226 = math.exp %parallel_loop3A_225 : vector<16xf32>
        %parallel_loop3A_227 = arith.constant 128 : i32
        %parallel_loop3A_228 = vector.broadcast %parallel_loop3A_227 : i32 to vector<16xi32>
        %parallel_loop3A_229 = arith.addi %parallel_loop3A_228, %add3A_53 : vector<16xi32>
        %parallel_loop3A_230 = tpu.vector_load_idx %arg9[%parallel_loop3A_108, %parallel_loop3A_229] : memref<80x256xf32, #tpu.memory_space<vmem>>[vector<16xi32>, vector<16xi32>], vector<16xf32>,
        %parallel_loop3A_231 = arith.mulf %parallel_loop3A_226, %parallel_loop3A_230 : vector<16xf32>
        tpu.vector_store_idx %arg10[%parallel_loop3A_108, %add3A_53], %parallel_loop3A_231 : memref<80x136xf32, #tpu.memory_space<vmem>>[vector<16xi32>, vector<16xi32>], vector<16xf32>,
        %parallel_loop3A_232 = arith.constant 133 : i32
        %parallel_loop3A_233 = vector.broadcast %parallel_loop3A_232 : i32 to vector<16xi32>
        %parallel_loop3A_234 = arith.addi %broadcast_in_dim3A_5, %parallel_loop3A_233 : vector<16xi32>
        tpu.vector_store_idx %arg10[%parallel_loop3A_108, %parallel_loop3A_234], %parallel_loop3A_226 masked %eq3A_63 : memref<80x136xf32, #tpu.memory_space<vmem>>[vector<16xi32>, vector<16xi32>], vector<16xf32>, vector<16xi1>
        %parallel_loop3A_235 = tpu.vector_load_idx %arg8[%parallel_loop3A_108, %add3A_56] : memref<80x128xf32, #tpu.memory_space<vmem>>[vector<16xi32>, vector<16xi32>], vector<16xf32>,
        %parallel_loop3A_236 = tpu.vector_load_idx %arg9[%parallel_loop3A_108, %add3A_56] : memref<80x256xf32, #tpu.memory_space<vmem>>[vector<16xi32>, vector<16xi32>], vector<16xf32>,
        %parallel_loop3A_237 = arith.mulf %parallel_loop3A_235, %parallel_loop3A_236 : vector<16xf32>
        %parallel_loop3A_238 = arith.constant true
        %parallel_loop3A_239 = vector.broadcast %parallel_loop3A_238 : i1 to vector<16xi1>
        %parallel_loop3A_240 = tpu.scan <sum>, %parallel_loop3A_237 masked %parallel_loop3A_239 : vector<16xf32>, vector<16xi1> -> vector<16xf32>
        %parallel_loop3A_241 = vector.shape_cast %broadcast_in_dim3A_61 : vector<16xi32> to vector<16x1xi32>
        %parallel_loop3A_242 = vector.shape_cast %parallel_loop3A_241 : vector<16x1xi32> to vector<16xi32>
        %parallel_loop3A_243 = tpu.dynamic_gather %parallel_loop3A_240[%parallel_loop3A_242] in [0] : vector<16xf32>, vector<16xi32> -> vector<16xf32>
        %parallel_loop3A_244 = arith.constant 2.500000e-01 : f32
        %parallel_loop3A_245 = vector.broadcast %parallel_loop3A_244 : f32 to vector<16xf32>
        %parallel_loop3A_246 = arith.mulf %parallel_loop3A_243, %parallel_loop3A_245 : vector<16xf32>
        %parallel_loop3A_247 = math.exp %parallel_loop3A_246 : vector<16xf32>
        %parallel_loop3A_248 = arith.constant 128 : i32
        %parallel_loop3A_249 = vector.broadcast %parallel_loop3A_248 : i32 to vector<16xi32>
        %parallel_loop3A_250 = arith.addi %parallel_loop3A_249, %add3A_56 : vector<16xi32>
        %parallel_loop3A_251 = tpu.vector_load_idx %arg9[%parallel_loop3A_108, %parallel_loop3A_250] : memref<80x256xf32, #tpu.memory_space<vmem>>[vector<16xi32>, vector<16xi32>], vector<16xf32>,
        %parallel_loop3A_252 = arith.mulf %parallel_loop3A_247, %parallel_loop3A_251 : vector<16xf32>
        tpu.vector_store_idx %arg10[%parallel_loop3A_108, %add3A_56], %parallel_loop3A_252 : memref<80x136xf32, #tpu.memory_space<vmem>>[vector<16xi32>, vector<16xi32>], vector<16xf32>,
        %parallel_loop3A_253 = arith.constant 134 : i32
        %parallel_loop3A_254 = vector.broadcast %parallel_loop3A_253 : i32 to vector<16xi32>
        %parallel_loop3A_255 = arith.addi %broadcast_in_dim3A_5, %parallel_loop3A_254 : vector<16xi32>
        tpu.vector_store_idx %arg10[%parallel_loop3A_108, %parallel_loop3A_255], %parallel_loop3A_247 masked %eq3A_63 : memref<80x136xf32, #tpu.memory_space<vmem>>[vector<16xi32>, vector<16xi32>], vector<16xf32>, vector<16xi1>
        %parallel_loop3A_256 = tpu.vector_load_idx %arg8[%parallel_loop3A_108, %add3A_59] : memref<80x128xf32, #tpu.memory_space<vmem>>[vector<16xi32>, vector<16xi32>], vector<16xf32>,
        %parallel_loop3A_257 = tpu.vector_load_idx %arg9[%parallel_loop3A_108, %add3A_59] : memref<80x256xf32, #tpu.memory_space<vmem>>[vector<16xi32>, vector<16xi32>], vector<16xf32>,
        %parallel_loop3A_258 = arith.mulf %parallel_loop3A_256, %parallel_loop3A_257 : vector<16xf32>
        %parallel_loop3A_259 = arith.constant true
        %parallel_loop3A_260 = vector.broadcast %parallel_loop3A_259 : i1 to vector<16xi1>
        %parallel_loop3A_261 = tpu.scan <sum>, %parallel_loop3A_258 masked %parallel_loop3A_260 : vector<16xf32>, vector<16xi1> -> vector<16xf32>
        %parallel_loop3A_262 = vector.shape_cast %broadcast_in_dim3A_61 : vector<16xi32> to vector<16x1xi32>
        %parallel_loop3A_263 = vector.shape_cast %parallel_loop3A_262 : vector<16x1xi32> to vector<16xi32>
        %parallel_loop3A_264 = tpu.dynamic_gather %parallel_loop3A_261[%parallel_loop3A_263] in [0] : vector<16xf32>, vector<16xi32> -> vector<16xf32>
        %parallel_loop3A_265 = arith.constant 2.500000e-01 : f32
        %parallel_loop3A_266 = vector.broadcast %parallel_loop3A_265 : f32 to vector<16xf32>
        %parallel_loop3A_267 = arith.mulf %parallel_loop3A_264, %parallel_loop3A_266 : vector<16xf32>
        %parallel_loop3A_268 = math.exp %parallel_loop3A_267 : vector<16xf32>
        %parallel_loop3A_269 = arith.constant 128 : i32
        %parallel_loop3A_270 = vector.broadcast %parallel_loop3A_269 : i32 to vector<16xi32>
        %parallel_loop3A_271 = arith.addi %parallel_loop3A_270, %add3A_59 : vector<16xi32>
        %parallel_loop3A_272 = tpu.vector_load_idx %arg9[%parallel_loop3A_108, %parallel_loop3A_271] : memref<80x256xf32, #tpu.memory_space<vmem>>[vector<16xi32>, vector<16xi32>], vector<16xf32>,
        %parallel_loop3A_273 = arith.mulf %parallel_loop3A_268, %parallel_loop3A_272 : vector<16xf32>
        tpu.vector_store_idx %arg10[%parallel_loop3A_108, %add3A_59], %parallel_loop3A_273 : memref<80x136xf32, #tpu.memory_space<vmem>>[vector<16xi32>, vector<16xi32>], vector<16xf32>,
        %parallel_loop3A_274 = arith.constant 135 : i32
        %parallel_loop3A_275 = vector.broadcast %parallel_loop3A_274 : i32 to vector<16xi32>
        %parallel_loop3A_276 = arith.addi %broadcast_in_dim3A_5, %parallel_loop3A_275 : vector<16xi32>
        tpu.vector_store_idx %arg10[%parallel_loop3A_108, %parallel_loop3A_276], %parallel_loop3A_268 masked %eq3A_63 : memref<80x136xf32, #tpu.memory_space<vmem>>[vector<16xi32>, vector<16xi32>], vector<16xf32>, vector<16xi1>
      } {sc.loop_unroll_factor = 5 : i64, sc.parallel_access}
      %run_scoped3A = arith.constant 1 : i32
      "tpu.region"() ({
        %run_scoped3A_106 = tpu.sem_alloc : memref<!tpu.dma_semaphore, #tpu.memory_space<semaphore_mem>>
        %dma_start3A_107 = arith.constant 0 : i32
        %dma_start3A_108 = tpu.memref_slice %arg7[%run_scoped3A, %dma_start3A_107] : memref<2x80xi32, #tpu.memory_space<vmem>> -> memref<1x80xi32, #tpu.memory_space<vmem>>
        %dma_start3A_109 = tpu.memref_squeeze %dma_start3A_108 : memref<1x80xi32, #tpu.memory_space<vmem>> -> memref<80xi32, #tpu.memory_space<vmem>>
        %dma_start3A_110 = arith.constant 0 : i32
        %dma_start3A_111 = arith.constant 0 : i32
        %dma_start3A_112 = tpu.memref_slice %arg11[%dma_start3A_110, %dma_start3A_111] : memref<10000x136xf32, #tpu.memory_space<vmem_shared>> -> memref<10000x136xf32, #tpu.memory_space<vmem_shared>>
        tpu.enqueue_indirect_dma source(%arg10 : memref<80x136xf32, #tpu.memory_space<vmem>>) target(%dma_start3A_112 : memref<10000x136xf32, #tpu.memory_space<vmem_shared>>) offsets(%dma_start3A_109 : memref<80xi32, #tpu.memory_space<vmem>>) semaphore(%run_scoped3A_106 : memref<!tpu.dma_semaphore, #tpu.memory_space<semaphore_mem>>) {add = true}
        %dma_wait3A_113 = arith.constant 0 : i32
        %dma_wait3A_114 = tpu.memref_slice %arg7[%run_scoped3A, %dma_wait3A_113] : memref<2x80xi32, #tpu.memory_space<vmem>> -> memref<1x80xi32, #tpu.memory_space<vmem>>
        %dma_wait3A_115 = tpu.memref_squeeze %dma_wait3A_114 : memref<1x80xi32, #tpu.memory_space<vmem>> -> memref<80xi32, #tpu.memory_space<vmem>>
        %dma_wait3A_116 = arith.constant 0 : i32
        %dma_wait3A_117 = arith.constant 0 : i32
        %dma_wait3A_118 = tpu.memref_slice %arg11[%dma_wait3A_116, %dma_wait3A_117] : memref<10000x136xf32, #tpu.memory_space<vmem_shared>> -> memref<10000x136xf32, #tpu.memory_space<vmem_shared>>
        tpu.wait_indirect_dma semaphore(%run_scoped3A_106 : memref<!tpu.dma_semaphore, #tpu.memory_space<semaphore_mem>>) src(%arg10 : memref<80x136xf32, #tpu.memory_space<vmem>>) dst(%dma_wait3A_118 : memref<10000x136xf32, #tpu.memory_space<vmem_shared>>)
        tpu.yield
      }) : () -> ()
      %scan3A_105 = arith.constant 0 : i32
      scf.yield %scan3A_105 : i32
    }
    %scan3A_69 = arith.constant 125 : i32
    %barrier3A_70 = arith.constant 0 : index
    tpu.barrier barrier_id(%barrier3A_70)
    %mul3A_71 = arith.constant 10000 : i32
    %mul3A_72 = arith.muli %arg0, %mul3A_71 : i32
    %add3A_73 = arith.addi %mul3A_72, %mul3A_0 : i32
    "tpu.region"() ({
      %run_scoped3A = tpu.sem_alloc : memref<!tpu.dma_semaphore, #tpu.memory_space<semaphore_mem>>
      %dma_start3A = arith.constant 0 : i32
      %dma_start3A_74 = tpu.memref_slice %arg6[%add3A_73, %dma_start3A] : memref<20000x136xf32, #tpu.memory_space<hbm>> -> memref<625x136xf32, #tpu.memory_space<hbm>>
      %dma_start3A_75 = arith.constant 0 : i32
      %dma_start3A_76 = tpu.memref_slice %arg11[%mul3A_0, %dma_start3A_75] : memref<10000x136xf32, #tpu.memory_space<vmem_shared>> -> memref<625x136xf32, #tpu.memory_space<vmem_shared>>
      tpu.enqueue_dma source(%dma_start3A_76 : memref<625x136xf32, #tpu.memory_space<vmem_shared>>) target(%dma_start3A_74 : memref<625x136xf32, #tpu.memory_space<hbm>>) target_semaphore(%run_scoped3A : memref<!tpu.dma_semaphore, #tpu.memory_space<semaphore_mem>>)
      %dma_wait3A = arith.constant 0 : i32
      %dma_wait3A_77 = tpu.memref_slice %arg6[%add3A_73, %dma_wait3A] : memref<20000x136xf32, #tpu.memory_space<hbm>> -> memref<625x136xf32, #tpu.memory_space<hbm>>
      %dma_wait3A_78 = arith.constant 0 : i32
      %dma_wait3A_79 = tpu.memref_slice %arg11[%mul3A_0, %dma_wait3A_78] : memref<10000x136xf32, #tpu.memory_space<vmem_shared>> -> memref<625x136xf32, #tpu.memory_space<vmem_shared>>
      tpu.wait_dma2 semaphore(%run_scoped3A : memref<!tpu.dma_semaphore, #tpu.memory_space<semaphore_mem>>) src(%dma_wait3A_79 : memref<625x136xf32, #tpu.memory_space<vmem_shared>>) dst(%dma_wait3A_77 : memref<625x136xf32, #tpu.memory_space<hbm>>)
      tpu.yield
    }) : () -> ()
    return
  }
}

module attributes {stable_mosaic.version = 14 : i64} {
  func.func @_proj_body(%arg0: i32, %arg1: memref<2000x128xf32, #tpu.memory_space<vmem>>, %arg2: memref<128x128xf32, #tpu.memory_space<vmem>>, %arg3: memref<1x128xf32, #tpu.memory_space<vmem>>, %arg4: memref<128x128xf32, #tpu.memory_space<vmem>>, %arg5: memref<1x128xf32, #tpu.memory_space<vmem>>, %arg6: memref<128x128xf32, #tpu.memory_space<vmem>>, %arg7: memref<1x128xf32, #tpu.memory_space<vmem>>, %arg8: memref<128x128xf32, #tpu.memory_space<vmem>>, %arg9: memref<1x128xf32, #tpu.memory_space<vmem>>, %arg10: memref<2000x128xf32, #tpu.memory_space<vmem>>, %arg11: memref<2000x256xf32, #tpu.memory_space<vmem>>, %arg12: memref<2000x128xf32, #tpu.memory_space<vmem>>) attributes {dimension_semantics = [#tpu.dimension_semantics<arbitrary>], iteration_bounds = array<i64: 5>, scalar_prefetch = 0 : i64, scratch_operands = 0 : i64, tpu.core_type = #tpu.core_type<tc>, window_params = [{transform_indices = @transform_0, window_bounds = array<i64: 2000, 128>}, {pipeline_mode = #tpu.pipeline_mode<synchronous>, transform_indices = @transform_1, window_bounds = array<i64: 128, 128>}, {pipeline_mode = #tpu.pipeline_mode<synchronous>, transform_indices = @transform_2, window_bounds = array<i64: 1, 128>}, {pipeline_mode = #tpu.pipeline_mode<synchronous>, transform_indices = @transform_3, window_bounds = array<i64: 128, 128>}, {pipeline_mode = #tpu.pipeline_mode<synchronous>, transform_indices = @transform_4, window_bounds = array<i64: 1, 128>}, {pipeline_mode = #tpu.pipeline_mode<synchronous>, transform_indices = @transform_5, window_bounds = array<i64: 128, 128>}, {pipeline_mode = #tpu.pipeline_mode<synchronous>, transform_indices = @transform_6, window_bounds = array<i64: 1, 128>}, {pipeline_mode = #tpu.pipeline_mode<synchronous>, transform_indices = @transform_7, window_bounds = array<i64: 128, 128>}, {pipeline_mode = #tpu.pipeline_mode<synchronous>, transform_indices = @transform_8, window_bounds = array<i64: 1, 128>}, {transform_indices = @transform_9, window_bounds = array<i64: 2000, 128>}, {transform_indices = @transform_10, window_bounds = array<i64: 2000, 256>}, {transform_indices = @transform_11, window_bounds = array<i64: 2000, 128>}]} {
    %get3A = arith.constant 0 : index
    %get3A_0 = arith.constant 0 : index
    %get3A_1 = vector.load %arg1[%get3A, %get3A_0] : memref<2000x128xf32, #tpu.memory_space<vmem>>, vector<2000x128xf32>
    %get3A_2 = arith.constant 0 : index
    %get3A_3 = arith.constant 0 : index
    %get3A_4 = vector.load %arg2[%get3A_2, %get3A_3] : memref<128x128xf32, #tpu.memory_space<vmem>>, vector<128x128xf32>
    %dot_general3A = arith.constant dense<0.000000e+00> : vector<2000x128xf32>
    %dot_general3A_5 = tpu.matmul %get3A_1, %get3A_4, %dot_general3A {dimension_numbers = #tpu.dot_dimension_numbers<[1], [1], [0], [0], [0, 0, 1, 0], [], []>, transpose_lhs_hint = false} : vector<2000x128xf32>, vector<128x128xf32>, vector<2000x128xf32> -> vector<2000x128xf32>
    %get3A_6 = arith.constant 0 : index
    %get3A_7 = arith.constant 0 : index
    %get3A_8 = vector.load %arg3[%get3A_6, %get3A_7] : memref<1x128xf32, #tpu.memory_space<vmem>>, vector<1x128xf32>
    %add3A = vector.broadcast %get3A_8 : vector<1x128xf32> to vector<2000x128xf32>
    %add3A_9 = arith.addf %dot_general3A_5, %add3A : vector<2000x128xf32>
    %swap3A = arith.constant 0 : index
    %swap3A_10 = arith.constant 0 : index
    %swap3A_11 = vector.load %arg10[%swap3A, %swap3A_10] : memref<2000x128xf32, #tpu.memory_space<vmem>>, vector<2000x128xf32>
    tpu.vector_store %arg10[%swap3A, %swap3A_10], %add3A_9 {strides = array<i32>} : memref<2000x128xf32, #tpu.memory_space<vmem>>, vector<2000x128xf32>,
    %get3A_12 = arith.constant 0 : index
    %get3A_13 = arith.constant 0 : index
    %get3A_14 = vector.load %arg4[%get3A_12, %get3A_13] : memref<128x128xf32, #tpu.memory_space<vmem>>, vector<128x128xf32>
    %dot_general3A_15 = arith.constant dense<0.000000e+00> : vector<2000x128xf32>
    %dot_general3A_16 = tpu.matmul %get3A_1, %get3A_14, %dot_general3A_15 {dimension_numbers = #tpu.dot_dimension_numbers<[1], [1], [0], [0], [0, 0, 1, 0], [], []>, transpose_lhs_hint = false} : vector<2000x128xf32>, vector<128x128xf32>, vector<2000x128xf32> -> vector<2000x128xf32>
    %get3A_17 = arith.constant 0 : index
    %get3A_18 = arith.constant 0 : index
    %get3A_19 = vector.load %arg5[%get3A_17, %get3A_18] : memref<1x128xf32, #tpu.memory_space<vmem>>, vector<1x128xf32>
    %add3A_20 = vector.broadcast %get3A_19 : vector<1x128xf32> to vector<2000x128xf32>
    %add3A_21 = arith.addf %dot_general3A_16, %add3A_20 : vector<2000x128xf32>
    %get3A_22 = arith.constant 0 : index
    %get3A_23 = arith.constant 0 : index
    %get3A_24 = vector.load %arg6[%get3A_22, %get3A_23] : memref<128x128xf32, #tpu.memory_space<vmem>>, vector<128x128xf32>
    %dot_general3A_25 = arith.constant dense<0.000000e+00> : vector<2000x128xf32>
    %dot_general3A_26 = tpu.matmul %get3A_1, %get3A_24, %dot_general3A_25 {dimension_numbers = #tpu.dot_dimension_numbers<[1], [1], [0], [0], [0, 0, 1, 0], [], []>, transpose_lhs_hint = false} : vector<2000x128xf32>, vector<128x128xf32>, vector<2000x128xf32> -> vector<2000x128xf32>
    %get3A_27 = arith.constant 0 : index
    %get3A_28 = arith.constant 0 : index
    %get3A_29 = vector.load %arg7[%get3A_27, %get3A_28] : memref<1x128xf32, #tpu.memory_space<vmem>>, vector<1x128xf32>
    %add3A_30 = vector.broadcast %get3A_29 : vector<1x128xf32> to vector<2000x128xf32>
    %add3A_31 = arith.addf %dot_general3A_26, %add3A_30 : vector<2000x128xf32>
    %concatenate3A = tpu.concatenate %add3A_21, %add3A_31 in 1 : vector<2000x128xf32>, vector<2000x128xf32> -> vector<2000x256xf32>
    %swap3A_32 = arith.constant 0 : index
    %swap3A_33 = arith.constant 0 : index
    %swap3A_34 = vector.load %arg11[%swap3A_32, %swap3A_33] : memref<2000x256xf32, #tpu.memory_space<vmem>>, vector<2000x256xf32>
    tpu.vector_store %arg11[%swap3A_32, %swap3A_33], %concatenate3A {strides = array<i32>} : memref<2000x256xf32, #tpu.memory_space<vmem>>, vector<2000x256xf32>,
    %get3A_35 = arith.constant 0 : index
    %get3A_36 = arith.constant 0 : index
    %get3A_37 = vector.load %arg8[%get3A_35, %get3A_36] : memref<128x128xf32, #tpu.memory_space<vmem>>, vector<128x128xf32>
    %dot_general3A_38 = arith.constant dense<0.000000e+00> : vector<2000x128xf32>
    %dot_general3A_39 = tpu.matmul %get3A_1, %get3A_37, %dot_general3A_38 {dimension_numbers = #tpu.dot_dimension_numbers<[1], [1], [0], [0], [0, 0, 1, 0], [], []>, transpose_lhs_hint = false} : vector<2000x128xf32>, vector<128x128xf32>, vector<2000x128xf32> -> vector<2000x128xf32>
    %add3A_40 = arith.addf %get3A_1, %dot_general3A_39 : vector<2000x128xf32>
    %get3A_41 = arith.constant 0 : index
    %get3A_42 = arith.constant 0 : index
    %get3A_43 = vector.load %arg9[%get3A_41, %get3A_42] : memref<1x128xf32, #tpu.memory_space<vmem>>, vector<1x128xf32>
    %add3A_44 = vector.broadcast %get3A_43 : vector<1x128xf32> to vector<2000x128xf32>
    %add3A_45 = arith.addf %add3A_40, %add3A_44 : vector<2000x128xf32>
    %swap3A_46 = arith.constant 0 : index
    %swap3A_47 = arith.constant 0 : index
    %swap3A_48 = vector.load %arg12[%swap3A_46, %swap3A_47] : memref<2000x128xf32, #tpu.memory_space<vmem>>, vector<2000x128xf32>
    tpu.vector_store %arg12[%swap3A_46, %swap3A_47], %add3A_45 {strides = array<i32>} : memref<2000x128xf32, #tpu.memory_space<vmem>>, vector<2000x128xf32>,
    return
  }
  func.func @transform_0(%arg0: i32) -> (i32, i32) {
    %c0_i32 = arith.constant 0 : i32
    %c0_i32_0 = arith.constant 0 : i32
    return %arg0, %c0_i32 : i32, i32
  }
  func.func @transform_1(%arg0: i32) -> (i32, i32) {
    %c0_i32 = arith.constant 0 : i32
    %c0_i32_0 = arith.constant 0 : i32
    %c0_i32_1 = arith.constant 0 : i32
    return %c0_i32, %c0_i32_0 : i32, i32
  }
  func.func @transform_2(%arg0: i32) -> (i32, i32) {
    %c0_i32 = arith.constant 0 : i32
    %c0_i32_0 = arith.constant 0 : i32
    %c0_i32_1 = arith.constant 0 : i32
    return %c0_i32, %c0_i32_0 : i32, i32
  }
  func.func @transform_3(%arg0: i32) -> (i32, i32) {
    %c0_i32 = arith.constant 0 : i32
    %c0_i32_0 = arith.constant 0 : i32
    %c0_i32_1 = arith.constant 0 : i32
    return %c0_i32, %c0_i32_0 : i32, i32
  }
  func.func @transform_4(%arg0: i32) -> (i32, i32) {
    %c0_i32 = arith.constant 0 : i32
    %c0_i32_0 = arith.constant 0 : i32
    %c0_i32_1 = arith.constant 0 : i32
    return %c0_i32, %c0_i32_0 : i32, i32
  }
  func.func @transform_5(%arg0: i32) -> (i32, i32) {
    %c0_i32 = arith.constant 0 : i32
    %c0_i32_0 = arith.constant 0 : i32
    %c0_i32_1 = arith.constant 0 : i32
    return %c0_i32, %c0_i32_0 : i32, i32
  }
  func.func @transform_6(%arg0: i32) -> (i32, i32) {
    %c0_i32 = arith.constant 0 : i32
    %c0_i32_0 = arith.constant 0 : i32
    %c0_i32_1 = arith.constant 0 : i32
    return %c0_i32, %c0_i32_0 : i32, i32
  }
  func.func @transform_7(%arg0: i32) -> (i32, i32) {
    %c0_i32 = arith.constant 0 : i32
    %c0_i32_0 = arith.constant 0 : i32
    %c0_i32_1 = arith.constant 0 : i32
    return %c0_i32, %c0_i32_0 : i32, i32
  }
  func.func @transform_8(%arg0: i32) -> (i32, i32) {
    %c0_i32 = arith.constant 0 : i32
    %c0_i32_0 = arith.constant 0 : i32
    %c0_i32_1 = arith.constant 0 : i32
    return %c0_i32, %c0_i32_0 : i32, i32
  }
  func.func @transform_9(%arg0: i32) -> (i32, i32) {
    %c0_i32 = arith.constant 0 : i32
    %c0_i32_0 = arith.constant 0 : i32
    return %arg0, %c0_i32 : i32, i32
  }
  func.func @transform_10(%arg0: i32) -> (i32, i32) {
    %c0_i32 = arith.constant 0 : i32
    %c0_i32_0 = arith.constant 0 : i32
    return %arg0, %c0_i32 : i32, i32
  }
  func.func @transform_11(%arg0: i32) -> (i32, i32) {
    %c0_i32 = arith.constant 0 : i32
    %c0_i32_0 = arith.constant 0 : i32
    return %arg0, %c0_i32 : i32, i32
  }
}

module attributes {stable_mosaic.version = 14 : i64} {
  func.func @_combine_body(%arg0: i32, %arg1: memref<2x2000x136xf32, #tpu.memory_space<vmem>>, %arg2: memref<2000x128xf32, #tpu.memory_space<vmem>>, %arg3: memref<8x128xf32, #tpu.memory_space<vmem>>, %arg4: memref<2000x128xf32, #tpu.memory_space<vmem>>) attributes {dimension_semantics = [#tpu.dimension_semantics<arbitrary>], iteration_bounds = array<i64: 5>, scalar_prefetch = 0 : i64, scratch_operands = 0 : i64, tpu.core_type = #tpu.core_type<tc>, window_params = [{transform_indices = @transform_0, window_bounds = array<i64: 2, 2000, 136>}, {transform_indices = @transform_1, window_bounds = array<i64: 2000, 128>}, {pipeline_mode = #tpu.pipeline_mode<synchronous>, transform_indices = @transform_2, window_bounds = array<i64: 8, 128>}, {transform_indices = @transform_3, window_bounds = array<i64: 2000, 128>}]} {
    %get3A = arith.constant 0 : index
    %get3A_0 = arith.constant 0 : index
    %get3A_1 = arith.constant 0 : index
    %get3A_2 = vector.load %arg1[%get3A, %get3A_0, %get3A_1] : memref<2x2000x136xf32, #tpu.memory_space<vmem>>, vector<1x2000x136xf32>
    %get3A_3 = vector.shape_cast %get3A_2 : vector<1x2000x136xf32> to vector<2000x136xf32>
    %get3A_4 = arith.constant 1 : index
    %get3A_5 = arith.constant 0 : index
    %get3A_6 = arith.constant 0 : index
    %get3A_7 = vector.load %arg1[%get3A_4, %get3A_5, %get3A_6] : memref<2x2000x136xf32, #tpu.memory_space<vmem>>, vector<1x2000x136xf32>
    %get3A_8 = vector.shape_cast %get3A_7 : vector<1x2000x136xf32> to vector<2000x136xf32>
    %slice3A = vector.extract_strided_slice %get3A_3 {offsets = [0, 0], sizes = [2000, 128], strides = [1, 1]} : vector<2000x136xf32> to vector<2000x128xf32>
    %slice3A_9 = vector.extract_strided_slice %get3A_8 {offsets = [0, 0], sizes = [2000, 128], strides = [1, 1]} : vector<2000x136xf32> to vector<2000x128xf32>
    %add3A = arith.addf %slice3A, %slice3A_9 : vector<2000x128xf32>
    %slice3A_10 = vector.extract_strided_slice %get3A_3 {offsets = [0, 128], sizes = [2000, 8], strides = [1, 1]} : vector<2000x136xf32> to vector<2000x8xf32>
    %slice3A_11 = vector.extract_strided_slice %get3A_8 {offsets = [0, 128], sizes = [2000, 8], strides = [1, 1]} : vector<2000x136xf32> to vector<2000x8xf32>
    %add3A_12 = arith.addf %slice3A_10, %slice3A_11 : vector<2000x8xf32>
    %add3A_13 = arith.constant 1.000000e-16 : f32
    %add3A_14 = vector.broadcast %add3A_13 : f32 to vector<2000x8xf32>
    %add3A_15 = arith.addf %add3A_12, %add3A_14 : vector<2000x8xf32>
    %div3A = arith.constant 1.000000e+00 : f32
    %div3A_16 = vector.broadcast %div3A : f32 to vector<2000x8xf32>
    %div3A_17 = arith.divf %div3A_16, %add3A_15 : vector<2000x8xf32>
    %get3A_18 = arith.constant 0 : index
    %get3A_19 = arith.constant 0 : index
    %get3A_20 = vector.load %arg3[%get3A_18, %get3A_19] : memref<8x128xf32, #tpu.memory_space<vmem>>, vector<8x128xf32>
    %dot_general3A = arith.constant dense<0.000000e+00> : vector<2000x128xf32>
    %dot_general3A_21 = tpu.matmul %div3A_17, %get3A_20, %dot_general3A {dimension_numbers = #tpu.dot_dimension_numbers<[1], [0], [0], [1], [0, 0, 1, 1], [], []>, transpose_lhs_hint = false} : vector<2000x8xf32>, vector<8x128xf32>, vector<2000x128xf32> -> vector<2000x128xf32>
    %get3A_22 = arith.constant 0 : index
    %get3A_23 = arith.constant 0 : index
    %get3A_24 = vector.load %arg2[%get3A_22, %get3A_23] : memref<2000x128xf32, #tpu.memory_space<vmem>>, vector<2000x128xf32>
    %mul3A = arith.mulf %add3A, %dot_general3A_21 : vector<2000x128xf32>
    %add3A_25 = arith.addf %get3A_24, %mul3A : vector<2000x128xf32>
    %swap3A = arith.constant 0 : index
    %swap3A_26 = arith.constant 0 : index
    %swap3A_27 = vector.load %arg4[%swap3A, %swap3A_26] : memref<2000x128xf32, #tpu.memory_space<vmem>>, vector<2000x128xf32>
    tpu.vector_store %arg4[%swap3A, %swap3A_26], %add3A_25 {strides = array<i32>} : memref<2000x128xf32, #tpu.memory_space<vmem>>, vector<2000x128xf32>,
    return
  }
  func.func @transform_0(%arg0: i32) -> (i32, i32, i32) {
    %c0_i32 = arith.constant 0 : i32
    %c0_i32_0 = arith.constant 0 : i32
    %c0_i32_1 = arith.constant 0 : i32
    return %c0_i32, %arg0, %c0_i32_0 : i32, i32, i32
  }
  func.func @transform_1(%arg0: i32) -> (i32, i32) {
    %c0_i32 = arith.constant 0 : i32
    %c0_i32_0 = arith.constant 0 : i32
    return %arg0, %c0_i32 : i32, i32
  }
  func.func @transform_2(%arg0: i32) -> (i32, i32) {
    %c0_i32 = arith.constant 0 : i32
    %c0_i32_0 = arith.constant 0 : i32
    %c0_i32_1 = arith.constant 0 : i32
    return %c0_i32, %c0_i32_0 : i32, i32
  }
  func.func @transform_3(%arg0: i32) -> (i32, i32) {
    %c0_i32 = arith.constant 0 : i32
    %c0_i32_0 = arith.constant 0 : i32
    return %arg0, %c0_i32 : i32, i32
  }
}

</mosaic_0001>

<sc_bundles>
// kernel: kernel.5.cloned.1.call-start
scs
__scs_entry_jumppad:
0x0: {  	(pc) =	sbr.rel $0x88, $3  }
0x1: {  	(tag) =	ssettag $0x0;
	lr =	simm.s32 $0x1  }
0x2: {  	[smem:$0x3F97] =	sst lr;
	_ =	strace $0xD0000000  }
0x3: {  	_ = 	snop  }
0x4: {  	_ = 	snop  }
0x5: {  	_ = 	snop  }
0x6: {  	_ = 	snop  }
0x7: {  	_ = 	snop  }
__scs_overlays_trampoline_lowered:
0x8: {  	[smem:$0x3FA6] =	sst s0  }
0x9: {  	[smem:$0x3FA7] =	sst s1  }
0xa: {  	[smem:$0x3FA8] =	sst s2  }
0xb: {  	[smem:$0x3FA9] =	sst s3  }
0xc: {  	[smem:$0x3FAA] =	sst s4  }
0xd: {  	[smem:$0x3FAB] =	sst s5  }
0xe: {  	[smem:$0x3FAC] =	sst s6  }
0xf: {  	[smem:$0x3FAD] =	sst s7  }
0x10: {  	[smem:$0x3FAE] =	sst s8  }
0x11: {  	[smem:$0x3FAF] =	sst s9;
	s0 =	simm.s32 @!p0 $0x0  }
0x12: {  	s1 =	sld [smem:$0x3F95];
	s0 =	simm.s32 @p0 $0x1  }
0x13: {  	[smem:$0x3FB0] =	sst s0;
	s0 =	simm.s32 @!p1 $0x0  }
0x14: {  	s2 =	sld [smem:$0x3F94];
	s0 =	simm.s32 @p1 $0x1  }
0x15: {  	[smem:$0x3FB1] =	sst s0;
	s0 =	simm.s32 @!p2 $0x0  }
0x16: {  	s3 =	sld [smem:$0x3FDB];
	s0 =	simm.s32 @p2 $0x1  }
0x17: {  	s4 =	simm.s32 $0x1BF5;
	[smem:$0x3FB3] =	sst s0  }
0x18: {  	s0 =	sld [smem:$0x3F96];
	_ =	swait.ge [sflag:s4], $0x0  }
0x19: {  	s7 =	sld [smem:$0x3F97]  }
0x1a: {  	s8 =	sadd.s32 $0xFFFFE003, lr  }
0x1b: {  	s9 =	sadd.s32 $0xFFFFFEF7, lr;
	s5 =	simm.s32 $0xFFFFFFFF;
	p2 =	slt.u32 s8, $0xFFFFF086  }
0x1c: {  	p1 =	slt.u32 s9, $0xF7A;
	s5 =	simm.s32 @!p2 $0x0  }
0x1d: {  	s5 =	simm.s32 @p1 $0x1;
	p0 =	seq.s32 s7, s2  }
0x1e: {  	s7 =	smul.u32 @!p0 $0xF7A, s2;
	p2 =	seq.s32 @!p0 s5, $0x0  }
0x1f: {  	s9 =	smul.u32 $0xF7A, s1;
	s8 =	simm.s32 @!p0 $0x1BF5;
	p2 =	por !p2, p0  }
0x20: {  	[sflag:s8] =	ssyncset.s32 @!p0 $0xFFFFF086;
	s6 =	sadd.s32 @!p0 s3, s7;
	s7 =	simm.s32 @!p0 $0x108  }
0x21: {  	s3 =	sadd.s32 s3, s9;
	s6 =	sadd.s32 @!p0 $0x88, s6;
	s7 =	simm.s32 @p2 $0x1082  }
0x22: {  	[simem:s7], [sflag:s8] =	dma.local @!p0 [hbm:s6], $0xF7A  }
0x23: {  	s9 =	sor.u32 $0xD0000000, s2;
	s6 =	simm.s32 $0x108;
	_ =	swait.ge @!p0 [sflag:s8], $0x0  }
0x24: {  	s3 =	sadd.s32 $0x88, s3;
	s6 =	simm.s32 @!p1 $0x1082;
	[sflag:s4] =	ssyncset.s32 $0xFFFFF086  }
0x25: {  	[simem:s6], [sflag:s4] =	dma.local [hbm:s3], $0xF7A  }
0x26: {  	[smem:$0x3F97] =	sst s1;
	(tag) =	ssettag s2;
	_ =	strace s9  }
0x27: {  	s1 =	sld [smem:$0x3FA7]  }
0x28: {  	s2 =	sld [smem:$0x3FA8]  }
0x29: {  	s4 =	sld [smem:$0x3FAA]  }
0x2a: {  	p0 =	seq.s32 s5, $0x0;
	s5 =	sld [smem:$0x3FAB]  }
0x2b: {  	s6 =	sld [smem:$0x3FAC]  }
0x2c: {  	s7 =	sld [smem:$0x3FAD]  }
0x2d: {  	s3 =	simm.s32 $0x108;
	s8 =	sld [smem:$0x3FAE]  }
0x2e: {  	s3 =	simm.s32 @!p0 $0x1082;
	s9 =	sld [smem:$0x3FAF]  }
0x2f: {  	lr =	sadd.s32 s0, s3;
	s0 =	sld [smem:$0x3FA6]  }
0x30: {  	s3 =	sld [smem:$0x3FA9]  }
0x31: {  	[smem:$0x3FB2] =	sst s10  }
0x32: {  	s10 =	sld [smem:$0x3FB0];
	_ =	sdelay $0x3  }
0x33: {  	p0 =	seq.s32 s10, $0x1;
	s10 =	sld [smem:$0x3FB2];
	_ =	sdelay $0x3  }
0x34: {  	[smem:$0x3FB2] =	sst s10  }
0x35: {  	s10 =	sld [smem:$0x3FB1];
	_ =	sdelay $0x3  }
0x36: {  	p1 =	seq.s32 s10, $0x1;
	s10 =	sld [smem:$0x3FB2];
	_ =	sdelay $0x3  }
0x37: {  	[smem:$0x3FB2] =	sst s10  }
0x38: {  	s10 =	sld [smem:$0x3FB3]  }
0x39: {  	_ = 	snop;
	(pc) =	sbr.ind lr, $3  }
0x3a: {  	_ = 	snop  }
0x3b: {  	_ = 	snop  }
0x3c: {  	p2 =	seq.s32 s10, $0x1;
	s10 =	sld [smem:$0x3FB2]  }
0x3d: {  	_ =	shalt  }
0x3e: {  	_ =	shalt  }
0x3f: {  	_ =	shalt  }
0x40: {  	_ =	shalt  }
0x41: {  	_ =	shalt  }
0x42: {  	_ =	shalt  }
0x43: {  	_ =	shalt  }
0x44: {  	_ =	shalt  }
0x45: {  	_ =	shalt  }
0x46: {  	_ =	shalt  }
0x47: {  	_ =	shalt  }
0x48: {  	_ =	shalt  }
0x49: {  	_ =	shalt  }
0x4a: {  	_ =	shalt  }
0x4b: {  	_ =	shalt  }
0x4c: {  	_ =	shalt  }
0x4d: {  	_ =	shalt  }
0x4e: {  	_ =	shalt  }
0x4f: {  	_ =	shalt  }
0x50: {  	_ =	shalt  }
0x51: {  	_ =	shalt  }
0x52: {  	_ =	shalt  }
0x53: {  	_ =	shalt  }
0x54: {  	_ =	shalt  }
0x55: {  	_ =	shalt  }
0x56: {  	_ =	shalt  }
0x57: {  	_ =	shalt  }
0x58: {  	_ =	shalt  }
0x59: {  	_ =	shalt  }
0x5a: {  	_ =	shalt  }
0x5b: {  	_ =	shalt  }
0x5c: {  	_ =	shalt  }
0x5d: {  	_ =	shalt  }
0x5e: {  	_ =	shalt  }
0x5f: {  	_ =	shalt  }
0x60: {  	_ =	shalt  }
0x61: {  	_ =	shalt  }
0x62: {  	_ =	shalt  }
0x63: {  	_ =	shalt  }
0x64: {  	_ =	shalt  }
0x65: {  	_ =	shalt  }
0x66: {  	_ =	shalt  }
0x67: {  	_ =	shalt  }
0x68: {  	_ =	shalt  }
0x69: {  	_ =	shalt  }
0x6a: {  	_ =	shalt  }
0x6b: {  	_ =	shalt  }
0x6c: {  	_ =	shalt  }
0x6d: {  	_ =	shalt  }
0x6e: {  	_ =	shalt  }
0x6f: {  	_ =	shalt  }
0x70: {  	_ =	shalt  }
0x71: {  	_ =	shalt  }
0x72: {  	_ =	shalt  }
0x73: {  	_ =	shalt  }
0x74: {  	_ =	shalt  }
0x75: {  	_ =	shalt  }
0x76: {  	_ =	shalt  }
0x77: {  	_ =	shalt  }
0x78: {  	_ =	shalt  }
0x79: {  	_ =	shalt  }
0x7a: {  	_ =	shalt  }
0x7b: {  	_ =	shalt  }
0x7c: {  	_ =	shalt  }
0x7d: {  	_ =	shalt  }
0x7e: {  	_ =	shalt  }
0x7f: {  	_ =	shalt  }
0x80: {  	_ =	shalt  }
0x81: {  	_ =	shalt  }
0x82: {  	_ =	shalt  }
0x83: {  	_ =	shalt  }
0x84: {  	_ =	shalt  }
0x85: {  	_ =	shalt  }
0x86: {  	_ =	shalt  }
0x87: {  	_ =	shalt  }
.Lfunc_end0:
.L_simem_size_0:
called_computation_lowered:
.L_overlay_start_0:
0x88: {  	s2 =	sld [smem:$0x3FD9]  }
0x89: {  	s3 =	sld [smem:$0x3FFE];
	_ =	sdelay $0x1  }
0x8a: {  	s1 =	srdreg.scid  }
0x8b: {  	s0 =	sand.u32 $0x1, s1  }
0x8c: {  	s17 =	sshll.u32 s0, $0xA;
	s2 =	sadd.s32 s3, s2  }
0x8d: {  	s2 =	sadd.s32 s2, s17  }
0x8e: {  	[smem:$0x3FBE] =	sst s2  }
0x8f: {  	_ = 	snop  }
0x90: {  	s2 =	sld [smem:$0x3FD0];
	(tm) =	ssettm $0x1  }
0x91: {  	s18 =	sld [smem:$0x3FFB];
	_ =	sdelay $0x3  }
0x92: {  	_ =	strace s18  }
0x93: {  	s3 =	sld [smem:$0x3FFC];
	_ =	sdelay $0x3  }
0x94: {  	_ =	strace s3  }
0x95: {  	s3 =	sld [smem:$0x3FFD];
	_ =	sdelay $0x3  }
0x96: {  	_ =	strace s3  }
0x97: {  	_ =	strace $0x8FFFFFFF  }
0x98: {  	s19 =	sld [smem:$0x3FDB];
	_ =	sdelay $0x1  }
0x99: {  	s4 =	simm.s32 $_scs_section_size  }
0x9a: {  	s5 =	simm.s32 $_size__tile_overlayer_lowered;
	s6 =	simm.s32 $_tile_overlayer_lowered  }
0x9b: {  	s22 =	simm.s32 $0x1BFF;
	s21 =	sshll.u32 s6, $0x1;
	s3 =	sadd.s32 s4, s19  }
0x9c: {  	s7 =	simm.s32 $0x0;
	s20 =	sshll.u32 s5, $0x1;
	s5 =	sadd.s32 s21, s3  }
0x9d: {  	[timem:s7], [sflag:s22] =	dma.local [hbm:s5], s20  }
0x9e: {  	_ =	swait.ge [sflag:s22], s20  }
0x9f: {  	s4 =	ssub.s32 $0x0, s20;
	[sflag:s22] =	ssyncset.done $0x0  }
0xa0: {  	[sflag:s22] =	ssyncadd.s32 s4;
	_ =	sdelay $0x1  }
0xa1: {  	s23 =	simm.s32 $0x1B8B  }
0xa2: {  	_ =	swait.ge [sflag:s23], $0x1  }
0xa3: {  	[sflag:s23] =	ssyncset.done $0x0  }
0xa4: {  	s25 =	simm.s32 $0x1B8E;
	s24 =	sld [smem:$0x3FFE];
	[sflag:s23] =	ssyncadd.s32 $0xFFFFFFFF  }
0xa5: {  	s26 =	simm.s32 $execute0_lowered;
	[smem:$0x3FD2] =	sst s25  }
0xa6: {  	s5 =	sshll.u32 s26, $0x1;
	_ =	strace $0x80000046;
	[dreg:$0x1] =	wrdreg $0xFFFFFFFF  }
0xa7: {  	s28 =	simm.s32 $_size_execute0_lowered;
	s3 =	sadd.s32 s3, s5;
	[dreg:$0x0] =	wrdreg $0x0  }
0xa8: {  	s5 =	sshll.u32 s28, $0x1;
	[dreg:$0x2] =	wrdreg s3  }
0xa9: {  	[dreg:$0x3] =	wrdreg s5  }
0xaa: {  	[dreg:$0x4] =	wrdreg $0xC0  }
0xab: {  	_ =	task [dreg:s7], $0x5FFFF  }
0xac: {  	[dreg:$0x1] =	wrdreg $0xFFFFFFFF  }
0xad: {  	[dreg:$0x0] =	wrdreg $0x60  }
0xae: {  	[dreg:$0x2] =	wrdreg s2  }
0xaf: {  	[dreg:$0x3] =	wrdreg s24  }
0xb0: {  	[dreg:$0x4] =	wrdreg $0xA3200  }
0xb1: {  	[dreg:$0x5] =	wrdreg $0x9  }
0xb2: {  	_ =	task.clear_ibuf [dreg:s7], $0x6FFFF;
	_ =	strace $0x90000046  }
0xb3: {  	s29 =	simm.s32 $0x9;
	_ =	strace $0x80000048  }
0xb4: {  	_ =	swait.ge [sflag:s29], $0x1  }
0xb5: {  	[sflag:s29] =	ssyncadd.s32 $0xFFFFFFFF  }
0xb6: {  	_ =	strace $0x90000048  }
0xb7: {  	_ =	sfence  }
0xb8: {  	s30 =	sld [smem:$0x0];
	_ =	sdelay $0x2  }
0xb9: {  	s31 =	sshll.u32 s1, $0xD;
	s1 =	sshrl.u32 s1, $0x2  }
0xba: {  	s3 =	sand.u32 $0x4000, s31;
	s1 =	sadd.s32 s1, s30  }
0xbb: {  	s0 =	sor.u32 s3, s0;
	s1 =	sshll.u32 s1, $0x11  }
0xbc: {  	s0 =	sor.u32 s1, s0  }
0xbd: {  	s0 =	sadd.s32 $0x8F2B, s0  }
0xbe: {  	[sflag:s0] =	ssyncadd.remote.s32 $0x1  }
0xbf: {  	_ =	sfence.sel $0xFFFF  }
0xc0: {  	[dreg:$0x0] =	wrdreg $0xFFFFFFFF;
	(pc) =	sbr.abs _section_cstart, $3  }
0xc1: {  	[dreg:$0x1] =	wrdreg $0xFFFFFFFF  }
0xc2: {  	_ =	task.clear_ibuf [dreg:s7], $0x2FFFF;
	_ =	strace $0x9FFFFFFF  }
0xc3: {  	(tm) =	ssettm $0x7FFFFFFF  }
tec
execute0_lowered:
.L_overlay_start_1:
0x0: {  	(tag) =	ssettag $0x1  }
0x1: {  	s1 =	rddreg [dreg:$0x0]  }
0x2: {  	s8 =	rddreg [dreg:$0x1]  }
0x3: {  	s3 =	rddreg [dreg:$0x2];
	s4 =	simm.s32 $0x0;
	v0 =	vlaneseq.u32  }
0x4: {  	[smem:$0x7FF] =	sst s4;
	v16 =	vor.u32 $0xF0, v0  }
0x5: {  	s0 =	rddreg [dreg:$0x3];
	v8 =	vor.u32 $0xB0, v0;
	_ =	strace $0x80000047;
	[tilespmem:$0x1FF30] =	vst v16  }
0x6: {  	v14 =	vor.u32 $0xE0, v0;
	[tilespmem:$0x1FF40] =	vst v8  }
0x7: {  	s5 =	srdreg.scid;
	v12 =	vor.u32 $0xD0, v0;
	[tilespmem:$0x1FF50] =	vst v14  }
0x8: {  	s2 =	stileid.u32;
	s13 =	simm.s32 $0x2;
	s14 =	simm.s32 $0x50;
	v4 =	vor.u32 $0x90, v0;
	[tilespmem:$0x1FF60] =	vst v12  }
0x9: {  	s15 =	simm.s32 $0x4E200;
	s16 =	simm.s32 $0xA0;
	s17 =	simm.s32 $0x28A0;
	v2 =	vor.u32 $0x80, v0;
	[tilespmem:$0x1FF70] =	vst v4  }
0xa: {  	s18 =	simm.s32 $0x1;
	s19 =	simm.s32 $0x78A0;
	s7 =	smul.u32 $0x2981, s2;
	v6 =	vor.u32 $0xA0, v0;
	[tilespmem:$0x1FF80] =	vst v2  }
0xb: {  	s9 =	sand.u32 $0x1, s5;
	s5 =	sadd.s32 $0x4FE00, s8;
	s12 =	smul.u32 $0x53020, s2;
	v33 =	vor.u32 $0x50, v0;
	[tilespmem:$0x1FF90] =	vst v6  }
0xc: {  	s6 =	sadd.s32 $0x1C00, s8;
	v63 =	vor.u32 $0xC0, v0;
	s10 =	smul.u32 $0x29810, s9;
	s11 =	ssub.s32 $0x2, s9;
	[tilespmem:$0x1FFA0] =	vst v33  }
0xd: {  	s31 =	sshll.u32 s2, $0x6;
	v7 =	vor.u32 $0x20, v0;
	s9 =	sshll.u32 s9, $0x4;
	[tilespmem:$0x1FFB0] =	vst v63;
	s29 =	sshrl.u32 s11, $0x1  }
0xe: {  	v3 =	vor.u32 $0x70, v0;
	[tilespmem:$0x1FFC0] =	vst v7;
	s30 =	sshrl.u32 s12, $0x2;
	s9 =	sor.u32 s2, s9;
	s10 =	sadd.s32 s7, s10  }
0xf: {  	v1 =	vor.u32 $0x60, v0;
	[tilespmem:$0x1FFD0] =	vst v3;
	s7 =	sadd.s32 $0x15600, s8;
	s11 =	ssub.s32 s11, s29;
	s12 =	sadd.s32 s30, s3  }
0x10: {  	v15 =	vor.u32 $0x30, v0;
	[tilespmem:$0x1FFE0] =	vst v1;
	s9 =	smul.u32 $0x7D, s9;
	s10 =	sadd.s32 s10, s8;
	s8 =	sor.u32 $0x1C02, s31  }
0x11: {  	v9 =	vimm.s32 $0xF;
	v13 =	vor.u32 $0x10, v0;
	v31 =	vor.u32 $0x40, v0;
	[tilespmem:$0x1FFF0] =	vst v15;
	s11 =	smax.u32 s11, $0x1;
	s12 =	sshrl.u32 s12, $0x3;
	s10 =	sadd.s32 $0x9E000, s10  }
.LBB2_1:
0x12: {  	[spmem:s12], [sflag:s8] =	dma.local [hbm:s7], $0x2981  }
0x13: {  	_ =	swait.ge [sflag:s13], $0x2981  }
0x14: {  	[sflag:s13] =	ssyncset.done $0x0  }
0x15: {  	[sflag:s13] =	ssyncadd.s32 $0xFFFFD67F  }
0x16: {  	s20 =	simm.s32 $0x0;
	[bflag:$0x0] =	sbarrier.arrive $0xFFFF  }
.LBB2_2:
0x17: {  	s21 =	sadd.s32 s9, s20  }
0x18: {  	s21 =	smul.u32 $0xA, s21;
	_ =	sdelay $0x1  }
0x19: {  	s22 =	simm.s32 $0x0;
	s21 =	sadd.s32 s6, s21  }
0x1a: {  	[tilespmem:s22], [sflag:$0x2] =	stream.strided.gather [hbm4b:s21+s14], $0xA0, s15, s14, $0x38;
	[tilespmem:$0x1EF28] =	vst v63  }
0x1b: {  	_ =	swait.ge [sflag:s13], $0xA0  }
0x1c: {  	[sflag:s13] =	ssyncset.done $0x0  }
0x1d: {  	[sflag:s13] =	ssyncadd.s32 $0xFFFFFF60  }
0x1e: {  	[tilespmem:s16], [sflag:$0x1] =	stream.indirect.gather [hbm4b:s1+s14], $0x80, s14, s14, $0xb8;
	[tilespmem:$0x1EF28] =	vst v63  }
0x1f: {  	_ = 	snop  }
0x20: {  	v18 =	vmov s22;
	[tilespmem:s17], [sflag:$0x1] =	stream.indirect.gather [hbm4b:s5+s14], $0x100, s22, s14, $0xb8;
	[tilespmem:$0x1EF28] =	vst v63  }
0x21: {  	v53 =	vshll.u32 v18, $0x7;
	_ =	swait.ge [sflag:s18], $0x2800  }
0x22: {  	v3 =	vshll.u32 v18, $0x8;
	v19 =	vor.u32 v0, v53;
	[sflag:s18] =	ssyncset.done $0x0  }
0x23: {  	v20 =	vor.u32 v0, v3;
	[sflag:s18] =	ssyncadd.s32 $0xFFFFD800  }
0x24: {  	_ =	swait.ge [sflag:s18], $0x5000  }
0x25: {  	[sflag:s18] =	ssyncset.done $0x0  }
0x26: {  	[sflag:s18] =	ssyncadd.s32 $0xFFFFB000  }
0x27: {  	v19 =	vld.idx.msk [tilespmem:v19+s16+$0x0], $0xffff  }
0x28: {  	v20 =	vld.idx.msk [tilespmem:v20+s17+$0x0], $0xffff;
	_ =	sdelay $0x4  }
0x29: {  	v19 =	vmul.f32 v20, v19;
	_ =	sdelay $0x1  }
0x2a: {  	(xrf2) =	vadd.scan.msk.f32 $0xffff, v19;
	_ =	sdelay $0x9  }
0x2b: {  	v19, _, _ =	vpop (xrf2)  }
0x2c: {  	v19 =	vperm.xlane v19, v9;
	_ =	sdelay $0x1  }
0x2d: {  	v19 =	vmul.f32 $2.500000000e-01, v19;
	_ =	sdelay $0x1  }
0x2e: {  	v19 =	vmul.f32 $1.442695020e+00, v19;
	_ =	sdelay $0x1  }
0x2f: {  	v20 =	vor.u32 v2, v3;
	(erf) = vpow2.f32 v19;
	_ =	sdelay $0x4  }
0x30: {  	v11 =	vmul.u32 $0x88, v18;
	v19 =	vld.idx.msk [tilespmem:v20+s17+$0x0], $0xffff;
	_ =	sdelay $0x1  }
0x31: {  	v21 =	vadd.s32 v0, v11  }
0x32: {  	v5 =	vadd.s32 $0x80, v11;
	s22 =	simm.s32 $0x4  }
0x33: {  	v23 =	vor.u32 v13, v53;
	v10 =	vmov s22;
	v1 =	vpop (erf)  }
0x34: {  	v25 =	vor.u32 v13, v3;
	v22 =	vshll.u32 v10, $0x7;
	v19 =	vmul.f32 v1, v19  }
0x35: {  	v61 =	vshll.u32 v10, $0x8;
	v27 =	vor.u32 v0, v22  }
0x36: {  	[tilespmem:v21+s19+$0x0] =	vst.idx.msk $0xffff, v19;
	v19 =	vor.u32 v0, v61  }
0x37: {  	[tilespmem:v5+s19+$0x0] =	vst.idx.msk $0x1, v1  }
0x38: {  	v21 =	vld.idx.msk [tilespmem:v23+s16+$0x0], $0xffff  }
0x39: {  	v5 =	vld.idx.msk [tilespmem:v25+s17+$0x0], $0xffff  }
0x3a: {  	s23 =	simm.s32 $0x3;
	v23 =	vld.idx.msk [tilespmem:v27+s16+$0x0], $0xffff  }
0x3b: {  	v27 =	vmov s23;
	v19 =	vld.idx.msk [tilespmem:v19+s17+$0x0], $0xffff  }
0x3c: {  	v17 =	vshll.u32 v27, $0x7  }
0x3d: {  	v29 =	vshll.u32 v27, $0x8;
	v1 =	vor.u32 v0, v17  }
0x3e: {  	v28 =	vor.u32 v0, v29  }
0x3f: {  	v21 =	vmul.f32 v5, v21  }
0x40: {  	v19 =	vmul.f32 v19, v23  }
0x41: {  	(xrf2) =	vadd.scan.msk.f32 $0xffff, v21  }
0x42: {  	s24 =	simm.s32 $0x2;
	v21 =	vld.idx.msk [tilespmem:v1+s16+$0x0], $0xffff;
	(xrf2) =	vadd.scan.msk.f32 $0xffff, v19  }
0x43: {  	v1 =	vmov s24;
	v19 =	vld.idx.msk [tilespmem:v28+s17+$0x0], $0xffff  }
0x44: {  	v14 =	vshll.u32 v1, $0x7  }
0x45: {  	v34 =	vshll.u32 v1, $0x8;
	v28 =	vor.u32 v0, v14  }
0x46: {  	v30 =	vor.u32 v0, v34  }
0x47: {  	s25 =	simm.s32 $0x1  }
0x48: {  	v5 =	vmov s25;
	v19 =	vmul.f32 v19, v21  }
0x49: {  	v23 =	vshll.u32 v5, $0x8  }
0x4a: {  	v12 =	vshll.u32 v5, $0x7;
	v32 =	vor.u32 v0, v23;
	(xrf2) =	vadd.scan.msk.f32 $0xffff, v19;
	v19 =	vld.idx.msk [tilespmem:v28+s16+$0x0], $0xffff  }
0x4b: {  	v21 =	vor.u32 v0, v12;
	v28 =	vld.idx.msk [tilespmem:v30+s17+$0x0], $0xffff;
	v30, _, _ =	vpop (xrf2)  }
0x4c: {  	v37, _, _ =	vpop (xrf2)  }
0x4d: {  	v37 =	vperm.xlane v37, v9;
	_ =	sdelay $0x1  }
0x4e: {  	v32 =	vld.idx.msk [tilespmem:v32+s17+$0x0], $0xffff;
	v37 =	vmul.f32 $2.500000000e-01, v37  }
0x4f: {  	v21 =	vld.idx.msk [tilespmem:v21+s16+$0x0], $0xffff;
	v19 =	vmul.f32 v28, v19  }
0x50: {  	v28 =	vperm.xlane v30, v9;
	v30 =	vmul.f32 $1.442695020e+00, v37  }
0x51: {  	(xrf2) =	vadd.scan.msk.f32 $0xffff, v19;
	_ =	sdelay $0x1  }
0x52: {  	v19 =	vmul.f32 $2.500000000e-01, v28  }
0x53: {  	v28 =	vor.u32 v2, v61;
	v21 =	vmul.f32 v32, v21;
	(erf) = vpow2.f32 v30;
	v30, _, _ =	vpop (xrf2)  }
0x54: {  	v30 =	vperm.xlane v30, v9  }
0x55: {  	(xrf2) =	vadd.scan.msk.f32 $0xffff, v21  }
0x56: {  	v19 =	vmul.f32 $1.442695020e+00, v19;
	v30 =	vmul.f32 $2.500000000e-01, v30;
	_ =	sdelay $0x1  }
0x57: {  	(erf) = vpow2.f32 v19;
	v19 =	vld.idx.msk [tilespmem:v28+s17+$0x0], $0xffff;
	v28 =	vmul.f32 $1.442695020e+00, v30  }
0x58: {  	v21 =	vor.u32 v4, v3  }
0x59: {  	v30 =	vor.u32 v2, v29;
	v49, _, _ =	vpop (xrf2);
	(erf) = vpow2.f32 v28  }
0x5a: {  	v57 =	vmul.u32 $0x88, v10;
	v32 =	vperm.xlane v49, v9;
	_ =	sdelay $0x1  }
0x5b: {  	v28 =	vadd.s32 v0, v57;
	v32 =	vmul.f32 $2.500000000e-01, v32  }
0x5c: {  	v42 =	vadd.s32 v13, v11;
	v38 =	vadd.s32 $0x80, v57;
	v21 =	vld.idx.msk [tilespmem:v21+s17+$0x0], $0xffff;
	v50 =	vpop (erf)  }
0x5d: {  	v40 =	vor.u32 v13, v22;
	v25 =	vmul.u32 $0x88, v27;
	v43, _, _ =	vpop (xrf2);
	v30 =	vld.idx.msk [tilespmem:v30+s17+$0x0], $0xffff;
	v32 =	vmul.f32 $1.442695020e+00, v32  }
0x5e: {  	v41 =	vor.u32 v13, v61;
	v39 =	vmul.f32 v50, v19;
	v27 =	vperm.xlane v43, v9  }
0x5f: {  	v52 =	vadd.s32 v0, v25;
	v55 =	vor.u32 v2, v34;
	v44 =	vpop (erf);
	(erf) = vpow2.f32 v32  }
0x60: {  	v45 =	vadd.s32 $0x81, v11;
	v60 =	vor.u32 v2, v23;
	v27 =	vmul.f32 $2.500000000e-01, v27;
	[tilespmem:v28+s19+$0x0] =	vst.idx.msk $0xffff, v39  }
0x61: {  	v51 =	vor.u32 v7, v3;
	v54 =	vadd.s32 $0x80, v25;
	v21 =	vmul.f32 v44, v21;
	[tilespmem:v38+s19+$0x0] =	vst.idx.msk $0x1, v50;
	v58 =	vpop (erf)  }
0x62: {  	v28 =	vor.u32 v7, v53;
	v27 =	vmul.f32 $1.442695020e+00, v27;
	v39 =	vld.idx.msk [tilespmem:v40+s16+$0x0], $0xffff;
	v30 =	vmul.f32 v58, v30  }
0x63: {  	[tilespmem:v42+s19+$0x0] =	vst.idx.msk $0xffff, v21;
	v21 =	vor.u32 v13, v17;
	v56 =	vld.idx.msk [tilespmem:v41+s17+$0x0], $0xffff  }
0x64: {  	v59 =	vor.u32 v13, v29;
	(erf) = vpow2.f32 v27;
	[tilespmem:v52+s19+$0x0] =	vst.idx.msk $0xffff, v30;
	v30 =	vld.idx.msk [tilespmem:v55+s17+$0x0], $0xffff  }
0x65: {  	v46 =	vld.idx.msk [tilespmem:v60+s17+$0x0], $0xffff;
	[tilespmem:v45+s19+$0x0] =	vst.idx.msk $0x1, v44  }
0x66: {  	v10 =	vmul.u32 $0x88, v1;
	v27 =	vld.idx.msk [tilespmem:v51+s17+$0x0], $0xffff  }
0x67: {  	v28 =	vld.idx.msk [tilespmem:v28+s16+$0x0], $0xffff;
	[tilespmem:v54+s19+$0x0] =	vst.idx.msk $0x1, v58  }
0x68: {  	v45 =	vadd.s32 v0, v10;
	v32 =	vmul.f32 v56, v39;
	v62 =	vld.idx.msk [tilespmem:v21+s16+$0x0], $0xffff;
	v48 =	vpop (erf)  }
0x69: {  	v18 =	vmul.u32 $0x88, v5;
	v1 =	vadd.s32 $0x80, v10;
	v38 =	vld.idx.msk [tilespmem:v59+s17+$0x0], $0xffff;
	v30 =	vmul.f32 v48, v30  }
0x6a: {  	v47 =	vor.u32 v13, v14;
	(xrf2) =	vadd.scan.msk.f32 $0xffff, v32  }
0x6b: {  	v49 =	vadd.s32 v0, v18;
	v50 =	vor.u32 v13, v34  }
0x6c: {  	v27 =	vmul.f32 v27, v28  }
0x6d: {  	v51 =	vor.u32 v13, v12;
	v28 =	vadd.s32 $0x80, v18;
	[tilespmem:v45+s19+$0x0] =	vst.idx.msk $0xffff, v30;
	v30 =	vpop (erf)  }
0x6e: {  	(xrf2) =	vadd.scan.msk.f32 $0xffff, v27;
	v37 =	vmul.f32 v38, v62;
	[tilespmem:v1+s19+$0x0] =	vst.idx.msk $0x1, v48;
	v27 =	vmul.f32 v30, v46  }
0x6f: {  	v52 =	vor.u32 v13, v23;
	v1 =	vld.idx.msk [tilespmem:v47+s16+$0x0], $0xffff  }
0x70: {  	(xrf2) =	vadd.scan.msk.f32 $0xffff, v37;
	[tilespmem:v49+s19+$0x0] =	vst.idx.msk $0xffff, v27;
	v27 =	vld.idx.msk [tilespmem:v50+s17+$0x0], $0xffff;
	_ =	sdelay $0x1  }
0x71: {  	[tilespmem:v28+s19+$0x0] =	vst.idx.msk $0x1, v30  }
0x72: {  	v28 =	vld.idx.msk [tilespmem:v51+s16+$0x0], $0xffff  }
0x73: {  	v30, _, _ =	vpop (xrf2);
	v32 =	vld.idx.msk [tilespmem:v52+s17+$0x0], $0xffff  }
0x74: {  	v30 =	vperm.xlane v30, v9;
	v27 =	vmul.f32 v27, v1;
	_ =	sdelay $0x1  }
0x75: {  	v1 =	vmul.f32 $2.500000000e-01, v30  }
0x76: {  	(xrf2) =	vadd.scan.msk.f32 $0xffff, v27  }
0x77: {  	v1 =	vmul.f32 $1.442695020e+00, v1;
	v28 =	vmul.f32 v32, v28;
	v27, _, _ =	vpop (xrf2)  }
0x78: {  	v30, _, _ =	vpop (xrf2)  }
0x79: {  	v54 =	vor.u32 v4, v61;
	(erf) = vpow2.f32 v1;
	(xrf2) =	vadd.scan.msk.f32 $0xffff, v28;
	v30 =	vperm.xlane v30, v9;
	_ =	sdelay $0x1  }
0x7a: {  	v28 =	vmul.f32 $2.500000000e-01, v30;
	_ =	sdelay $0x1  }
0x7b: {  	s26 =	simm.s32 $0x5;
	v30 =	vmul.f32 $1.442695020e+00, v28  }
0x7c: {  	v58 =	vor.u32 v4, v29;
	v32 =	vld.idx.msk [tilespmem:v54+s17+$0x0], $0xffff;
	v1 =	vmov s26;
	v55 =	vperm.xlane v27, v9  }
0x7d: {  	v16 =	vshll.u32 v1, $0x7;
	v5 =	vshll.u32 v1, $0x8;
	(erf) = vpow2.f32 v30  }
0x7e: {  	v56 =	vor.u32 v0, v16;
	v37 =	vmul.f32 $2.500000000e-01, v55;
	v30 =	vadd.s32 v13, v57;
	v59, _, _ =	vpop (xrf2)  }
0x7f: {  	v62 =	vadd.s32 $0x81, v57;
	v60 =	vor.u32 v0, v5;
	v40 =	vperm.xlane v59, v9  }
0x80: {  	v48 =	vor.u32 v7, v22;
	v37 =	vmul.f32 $1.442695020e+00, v37;
	v49 =	vpop (erf)  }
0x81: {  	v50 =	vor.u32 v7, v61;
	v32 =	vmul.f32 v49, v32;
	v40 =	vmul.f32 $2.500000000e-01, v40;
	v46, _, _ =	vpop (xrf2)  }
0x82: {  	v39 =	vld.idx.msk [tilespmem:v58+s17+$0x0], $0xffff;
	v51 =	vperm.xlane v46, v9  }
0x83: {  	v47 =	vor.u32 v6, v3;
	v38 =	vld.idx.msk [tilespmem:v56+s16+$0x0], $0xffff;
	(erf) = vpow2.f32 v37;
	[tilespmem:v30+s19+$0x0] =	vst.idx.msk $0xffff, v32;
	v30 =	vmul.f32 $1.442695020e+00, v40  }
0x84: {  	v54 =	vadd.s32 v13, v25;
	v52 =	vld.idx.msk [tilespmem:v60+s17+$0x0], $0xffff;
	[tilespmem:v62+s19+$0x0] =	vst.idx.msk $0x1, v49;
	v37 =	vmul.f32 $2.500000000e-01, v51  }
0x85: {  	v55 =	vor.u32 v4, v34;
	v56 =	vadd.s32 $0x81, v25;
	v41 =	vld.idx.msk [tilespmem:v48+s16+$0x0], $0xffff;
	(erf) = vpow2.f32 v30  }
0x86: {  	v59 =	vor.u32 v7, v17;
	v30 =	vld.idx.msk [tilespmem:v50+s17+$0x0], $0xffff;
	v37 =	vmul.f32 $1.442695020e+00, v37;
	v58 =	vpop (erf)  }
0x87: {  	v62 =	vor.u32 v7, v29;
	v39 =	vmul.f32 v58, v39  }
0x88: {  	v60 =	vld.idx.msk [tilespmem:v47+s17+$0x0], $0xffff;
	v48 =	vor.u32 v4, v23;
	(erf) = vpow2.f32 v37  }
0x89: {  	[tilespmem:v54+s19+$0x0] =	vst.idx.msk $0xffff, v39  }
0x8a: {  	v32 =	vmul.f32 v52, v38;
	v52 =	vld.idx.msk [tilespmem:v55+s17+$0x0], $0xffff;
	v51 =	vadd.s32 v7, v11;
	[tilespmem:v56+s19+$0x0] =	vst.idx.msk $0x1, v58  }
0x8b: {  	v54 =	vadd.s32 $0x82, v11;
	v30 =	vmul.f32 v30, v41;
	v56 =	vld.idx.msk [tilespmem:v59+s16+$0x0], $0xffff  }
0x8c: {  	(xrf2) =	vadd.scan.msk.f32 $0xffff, v32;
	v55 =	vpop (erf);
	v39 =	vor.u32 v15, v53;
	v43 =	vld.idx.msk [tilespmem:v62+s17+$0x0], $0xffff;
	v59 =	vadd.s32 v13, v10  }
0x8d: {  	v58 =	vmul.f32 v55, v60;
	v60 =	vor.u32 v15, v3;
	v62 =	vld.idx.msk [tilespmem:v48+s17+$0x0], $0xffff;
	(xrf2) =	vadd.scan.msk.f32 $0xffff, v30;
	v30 =	vadd.s32 $0x81, v10  }
0x8e: {  	v35 =	vadd.s32 v13, v18;
	v32 =	vor.u32 v7, v14;
	v37 =	vpop (erf)  }
0x8f: {  	[tilespmem:v51+s19+$0x0] =	vst.idx.msk $0xffff, v58;
	v38 =	vmul.f32 v37, v52;
	v52 =	vor.u32 v7, v34  }
0x90: {  	[tilespmem:v54+s19+$0x0] =	vst.idx.msk $0x1, v55;
	v54 =	vadd.s32 $0x81, v18  }
0x91: {  	v55 =	vor.u32 v7, v12;
	v39 =	vld.idx.msk [tilespmem:v39+s16+$0x0], $0xffff;
	[tilespmem:v59+s19+$0x0] =	vst.idx.msk $0xffff, v38;
	v56 =	vmul.f32 v43, v56;
	v58 =	vpop (erf)  }
0x92: {  	v59 =	vld.idx.msk [tilespmem:v60+s17+$0x0], $0xffff;
	v60 =	vmul.f32 v58, v62;
	v62 =	vor.u32 v7, v23;
	[tilespmem:v30+s19+$0x0] =	vst.idx.msk $0x1, v37  }
0x93: {  	v30 =	vld.idx.msk [tilespmem:v32+s16+$0x0], $0xffff  }
0x94: {  	(xrf2) =	vadd.scan.msk.f32 $0xffff, v56;
	[tilespmem:v35+s19+$0x0] =	vst.idx.msk $0xffff, v60;
	v46 =	vld.idx.msk [tilespmem:v52+s17+$0x0], $0xffff  }
0x95: {  	[tilespmem:v54+s19+$0x0] =	vst.idx.msk $0x1, v58  }
0x96: {  	v37, _, _ =	vpop (xrf2);
	v47 =	vld.idx.msk [tilespmem:v55+s16+$0x0], $0xffff  }
0x97: {  	v48, _, _ =	vpop (xrf2);
	v41 =	vld.idx.msk [tilespmem:v62+s17+$0x0], $0xffff  }
0x98: {  	v39 =	vmul.f32 v59, v39;
	v40 =	vperm.xlane v48, v9  }
0x99: {  	v30 =	vmul.f32 v46, v30  }
0x9a: {  	(xrf2) =	vadd.scan.msk.f32 $0xffff, v39;
	v49 =	vmul.f32 $2.500000000e-01, v40  }
0x9b: {  	(xrf2) =	vadd.scan.msk.f32 $0xffff, v30  }
0x9c: {  	v30 =	vmul.f32 $1.442695020e+00, v49;
	v50 =	vmul.f32 v41, v47;
	_ =	sdelay $0x1  }
0x9d: {  	v52, _, _ =	vpop (xrf2);
	(erf) = vpow2.f32 v30;
	(xrf2) =	vadd.scan.msk.f32 $0xffff, v50  }
0x9e: {  	v51 =	vor.u32 v6, v61;
	v30 =	vperm.xlane v52, v9;
	_ =	sdelay $0x1  }
0x9f: {  	v30 =	vmul.f32 $2.500000000e-01, v30;
	_ =	sdelay $0x1  }
0xa0: {  	v30 =	vmul.f32 $1.442695020e+00, v30  }
0xa1: {  	v54 =	vld.idx.msk [tilespmem:v51+s17+$0x0], $0xffff;
	v38, _, _ =	vpop (xrf2)  }
0xa2: {  	v55 =	vor.u32 v6, v29;
	(erf) = vpow2.f32 v30;
	v56, _, _ =	vpop (xrf2)  }
0xa3: {  	v30 =	vadd.s32 v7, v57;
	v40 =	vperm.xlane v56, v9  }
0xa4: {  	v58 =	vadd.s32 $0x82, v57;
	v59 =	vpop (erf)  }
0xa5: {  	v60 =	vor.u32 v15, v22;
	v40 =	vmul.f32 $2.500000000e-01, v40;
	v48, _, _ =	vpop (xrf2)  }
0xa6: {  	v62 =	vor.u32 v15, v61;
	v32 =	vmul.f32 v59, v54;
	v45 =	vperm.xlane v48, v9  }
0xa7: {  	v39 =	vld.idx.msk [tilespmem:v55+s17+$0x0], $0xffff;
	v40 =	vmul.f32 $1.442695020e+00, v40  }
0xa8: {  	[tilespmem:v30+s19+$0x0] =	vst.idx.msk $0xffff, v32;
	v30 =	vmul.f32 $2.500000000e-01, v45  }
0xa9: {  	v49 =	vor.u32 v6, v34;
	v50 =	vadd.s32 v7, v25;
	[tilespmem:v58+s19+$0x0] =	vst.idx.msk $0x1, v59;
	(erf) = vpow2.f32 v40  }
0xaa: {  	v52 =	vadd.s32 $0x82, v25;
	v51 =	vld.idx.msk [tilespmem:v60+s16+$0x0], $0xffff;
	v30 =	vmul.f32 $1.442695020e+00, v30  }
0xab: {  	v55 =	vor.u32 v15, v17;
	v38 =	vperm.xlane v38, v9;
	v54 =	vld.idx.msk [tilespmem:v62+s17+$0x0], $0xffff;
	v56 =	vpop (erf)  }
0xac: {  	v58 =	vor.u32 v6, v23;
	v39 =	vmul.f32 v56, v39;
	(erf) = vpow2.f32 v30  }
0xad: {  	v59 =	vor.u32 v15, v29;
	v30 =	vmul.f32 $2.500000000e-01, v38  }
0xae: {  	v32 =	vld.idx.msk [tilespmem:v49+s17+$0x0], $0xffff;
	[tilespmem:v50+s19+$0x0] =	vst.idx.msk $0xffff, v39  }
0xaf: {  	v30 =	vmul.f32 $1.442695020e+00, v30;
	[tilespmem:v52+s19+$0x0] =	vst.idx.msk $0x1, v56  }
0xb0: {  	v62 =	vadd.s32 v7, v10;
	v60 =	vmul.f32 v54, v51;
	v41 =	vld.idx.msk [tilespmem:v55+s16+$0x0], $0xffff  }
0xb1: {  	v48 =	vor.u32 v8, v3;
	v49 =	vadd.s32 $0x82, v10;
	(erf) = vpow2.f32 v30;
	v30 =	vld.idx.msk [tilespmem:v58+s17+$0x0], $0xffff  }
0xb2: {  	v51 =	vor.u32 v15, v14;
	(xrf2) =	vadd.scan.msk.f32 $0xffff, v60;
	v38 =	vld.idx.msk [tilespmem:v59+s17+$0x0], $0xffff;
	v50 =	vpop (erf)  }
0xb3: {  	v54 =	vor.u32 v15, v34;
	v52 =	vadd.s32 v7, v18;
	v32 =	vmul.f32 v50, v32;
	_ =	sdelay $0x1  }
0xb4: {  	v55 =	vadd.s32 $0x82, v18;
	[tilespmem:v62+s19+$0x0] =	vst.idx.msk $0xffff, v32;
	v56 =	vpop (erf)  }
0xb5: {  	v42 =	vld.idx.msk [tilespmem:v48+s17+$0x0], $0xffff;
	v58 =	vor.u32 v15, v12;
	[tilespmem:v49+s19+$0x0] =	vst.idx.msk $0x1, v50;
	v30 =	vmul.f32 v56, v30  }
0xb6: {  	v59 =	vor.u32 v15, v23;
	v38 =	vmul.f32 v38, v41;
	v43 =	vld.idx.msk [tilespmem:v51+s16+$0x0], $0xffff  }
0xb7: {  	v37 =	vperm.xlane v37, v9;
	[tilespmem:v52+s19+$0x0] =	vst.idx.msk $0xffff, v30;
	v30 =	vld.idx.msk [tilespmem:v54+s17+$0x0], $0xffff  }
0xb8: {  	(xrf2) =	vadd.scan.msk.f32 $0xffff, v38  }
0xb9: {  	v37 =	vmul.f32 $2.500000000e-01, v37;
	v60 =	vadd.s32 v15, v11;
	[tilespmem:v55+s19+$0x0] =	vst.idx.msk $0x1, v56  }
0xba: {  	v62 =	vadd.s32 $0x83, v11;
	v35 =	vpop (erf);
	v40 =	vld.idx.msk [tilespmem:v58+s16+$0x0], $0xffff  }
0xbb: {  	v37 =	vmul.f32 $1.442695020e+00, v37;
	v50 =	vor.u32 v31, v3;
	v49, _, _ =	vpop (xrf2);
	v42 =	vmul.f32 v35, v42;
	v39 =	vld.idx.msk [tilespmem:v59+s17+$0x0], $0xffff  }
0xbc: {  	v48 =	vor.u32 v31, v53;
	v45 =	vperm.xlane v49, v9;
	v30 =	vmul.f32 v30, v43  }
0xbd: {  	(erf) = vpow2.f32 v37  }
0xbe: {  	v51 =	vor.u32 v2, v5;
	[tilespmem:v60+s19+$0x0] =	vst.idx.msk $0xffff, v42;
	v52 =	vmul.f32 $2.500000000e-01, v45;
	(xrf2) =	vadd.scan.msk.f32 $0xffff, v30  }
0xbf: {  	[tilespmem:v62+s19+$0x0] =	vst.idx.msk $0x1, v35  }
0xc0: {  	v37 =	vmul.f32 $1.442695020e+00, v52;
	v38 =	vld.idx.msk [tilespmem:v50+s17+$0x0], $0xffff;
	v54 =	vmul.f32 v39, v40  }
0xc1: {  	v30 =	vld.idx.msk [tilespmem:v48+s16+$0x0], $0xffff  }
0xc2: {  	v55 =	vor.u32 v8, v61;
	(erf) = vpow2.f32 v37;
	v58, _, _ =	vpop (xrf2);
	(xrf2) =	vadd.scan.msk.f32 $0xffff, v54  }
0xc3: {  	v1 =	vmul.u32 $0x88, v1;
	v56 =	vld.idx.msk [tilespmem:v51+s17+$0x0], $0xffff;
	v37 =	vperm.xlane v58, v9;
	_ =	sdelay $0x1  }
0xc4: {  	v59 =	vadd.s32 v0, v1;
	v37 =	vmul.f32 $2.500000000e-01, v37  }
0xc5: {  	v60 =	vadd.s32 $0x80, v1;
	v30 =	vmul.f32 v38, v30  }
0xc6: {  	v62 =	vpop (erf);
	v41 =	vld.idx.msk [tilespmem:v55+s17+$0x0], $0xffff;
	v52 =	vmul.f32 $1.442695020e+00, v37  }
0xc7: {  	v44 =	vor.u32 v8, v29;
	v45 =	vadd.s32 v15, v57;
	(xrf2) =	vadd.scan.msk.f32 $0xffff, v30;
	v30 =	vmul.f32 v62, v56;
	v54, _, _ =	vpop (xrf2)  }
0xc8: {  	v43 =	vor.u32 v13, v16;
	(erf) = vpow2.f32 v52;
	v55 =	vperm.xlane v54, v9  }
0xc9: {  	v37 =	vor.u32 v13, v5;
	v56 =	vadd.s32 $0x83, v57;
	[tilespmem:v59+s19+$0x0] =	vst.idx.msk $0xffff, v30  }
0xca: {  	s28 =	simm.s32 $0x9;
	v46 =	vor.u32 v8, v34;
	v58 =	vor.u32 v31, v22;
	v59 =	vpop (erf);
	[tilespmem:v60+s19+$0x0] =	vst.idx.msk $0x1, v62;
	v60 =	vmul.f32 $2.500000000e-01, v55  }
0xcb: {  	v39 =	vmov s28;
	v62 =	vor.u32 v31, v61;
	v41 =	vmul.f32 v59, v41;
	v30, _, _ =	vpop (xrf2)  }
0xcc: {  	v44 =	vld.idx.msk [tilespmem:v44+s17+$0x0], $0xffff;
	v6 =	vshll.u32 v39, $0x7;
	v52 =	vperm.xlane v30, v9;
	v38 =	vmul.f32 $1.442695020e+00, v60  }
0xcd: {  	v49 =	vor.u32 v0, v6;
	v43 =	vld.idx.msk [tilespmem:v43+s16+$0x0], $0xffff;
	v30 =	vshll.u32 v39, $0x8;
	[tilespmem:v45+s19+$0x0] =	vst.idx.msk $0xffff, v41  }
0xce: {  	v37 =	vld.idx.msk [tilespmem:v37+s17+$0x0], $0xffff;
	v54 =	vor.u32 v0, v30;
	[tilespmem:v56+s19+$0x0] =	vst.idx.msk $0x1, v59;
	v55 =	vmul.f32 $2.500000000e-01, v52;
	(erf) = vpow2.f32 v38  }
0xcf: {  	v32 =	vld.idx.msk [tilespmem:v58+s16+$0x0], $0xffff;
	v58 =	vadd.s32 v15, v25  }
0xd0: {  	v50 =	vadd.s32 $0x83, v25;
	v42 =	vld.idx.msk [tilespmem:v62+s17+$0x0], $0xffff;
	v60 =	vor.u32 v8, v23;
	v56 =	vmul.f32 $1.442695020e+00, v55  }
0xd1: {  	v46 =	vld.idx.msk [tilespmem:v46+s17+$0x0], $0xffff;
	v51 =	vor.u32 v31, v17;
	v62 =	vpop (erf)  }
0xd2: {  	v49 =	vld.idx.msk [tilespmem:v49+s16+$0x0], $0xffff;
	v52 =	vor.u32 v31, v29;
	v59, _, _ =	vpop (xrf2);
	v44 =	vmul.f32 v62, v44;
	(erf) = vpow2.f32 v56  }
0xd3: {  	v37 =	vmul.f32 v37, v43;
	v47 =	vperm.xlane v59, v9;
	v41 =	vld.idx.msk [tilespmem:v54+s17+$0x0], $0xffff  }
0xd4: {  	v56 =	vadd.s32 v15, v10;
	[tilespmem:v58+s19+$0x0] =	vst.idx.msk $0xffff, v44  }
0xd5: {  	v54 =	vmul.f32 $2.500000000e-01, v47;
	v32 =	vmul.f32 v42, v32;
	v42 =	vld.idx.msk [tilespmem:v60+s17+$0x0], $0xffff;
	[tilespmem:v50+s19+$0x0] =	vst.idx.msk $0x1, v62  }
0xd6: {  	(xrf2) =	vadd.scan.msk.f32 $0xffff, v37;
	v44 =	vadd.s32 $0x83, v10;
	v45 =	vld.idx.msk [tilespmem:v51+s16+$0x0], $0xffff  }
0xd7: {  	v58 =	vor.u32 v63, v3;
	v55 =	vmul.f32 $1.442695020e+00, v54;
	(xrf2) =	vadd.scan.msk.f32 $0xffff, v32;
	v47 =	vld.idx.msk [tilespmem:v52+s17+$0x0], $0xffff;
	v37 =	vpop (erf)  }
0xd8: {  	v59 =	vmul.f32 v41, v49;
	v41 =	vor.u32 v31, v14;
	v46 =	vmul.f32 v37, v46  }
0xd9: {  	v48 =	vadd.s32 v15, v18;
	(erf) = vpow2.f32 v55;
	v49 =	vor.u32 v31, v34  }
0xda: {  	s29 =	simm.s32 $0x8;
	v54 =	vadd.s32 $0x83, v18;
	v55 =	vor.u32 v31, v12;
	[tilespmem:v56+s19+$0x0] =	vst.idx.msk $0xffff, v46  }
0xdb: {  	(xrf2) =	vadd.scan.msk.f32 $0xffff, v59;
	v59 =	vor.u32 v31, v23;
	v56 =	vpop (erf);
	[tilespmem:v44+s19+$0x0] =	vst.idx.msk $0x1, v37;
	v44 =	vmov s29  }
0xdc: {  	v8 =	vmovc v17;
	v38 =	vld.idx.msk [tilespmem:v58+s17+$0x0], $0xffff;
	v45 =	vmul.f32 v47, v45;
	v58 =	vmul.f32 v56, v42;
	v17 =	vshll.u32 v44, $0x7  }
0xdd: {  	v37 =	vld.idx.msk [tilespmem:v41+s16+$0x0], $0xffff;
	v32 =	vshll.u32 v44, $0x8;
	v60 =	vor.u32 v0, v17  }
0xde: {  	(xrf2) =	vadd.scan.msk.f32 $0xffff, v45;
	v46 =	vld.idx.msk [tilespmem:v49+s17+$0x0], $0xffff;
	[tilespmem:v48+s19+$0x0] =	vst.idx.msk $0xffff, v58;
	v45 =	vor.u32 v0, v32  }
0xdf: {  	[tilespmem:v54+s19+$0x0] =	vst.idx.msk $0x1, v56  }
0xe0: {  	v35 =	vmov v12;
	v12 =	vmov v6;
	v6, _, _ =	vpop (xrf2);
	v48 =	vadd.s32 v31, v11;
	v49 =	vld.idx.msk [tilespmem:v55+s16+$0x0], $0xffff  }
0xe1: {  	v50 =	vadd.s32 $0x84, v11;
	v42 =	vld.idx.msk [tilespmem:v59+s17+$0x0], $0xffff;
	v58, _, _ =	vpop (xrf2)  }
0xe2: {  	v27 =	vmov v53;
	v53 =	vor.u32 v33, v53;
	v59 =	vpop (erf);
	v51 =	vperm.xlane v58, v9;
	v60 =	vld.idx.msk [tilespmem:v60+s16+$0x0], $0xffff  }
0xe3: {  	v54 =	vor.u32 v33, v3;
	v38 =	vmul.f32 v59, v38;
	v37 =	vmul.f32 v46, v37;
	v45 =	vld.idx.msk [tilespmem:v45+s17+$0x0], $0xffff;
	_ =	sdelay $0x1  }
0xe4: {  	v43, _, _ =	vpop (xrf2);
	v51 =	vmul.f32 $2.500000000e-01, v51;
	[tilespmem:v48+s19+$0x0] =	vst.idx.msk $0xffff, v38;
	(xrf2) =	vadd.scan.msk.f32 $0xffff, v37  }
0xe5: {  	v47 =	vperm.xlane v43, v9;
	[tilespmem:v50+s19+$0x0] =	vst.idx.msk $0x1, v59  }
0xe6: {  	v39 =	vmul.u32 $0x88, v39;
	v52 =	vmul.f32 v42, v49;
	v55 =	vmul.f32 $1.442695020e+00, v51;
	v48 =	vld.idx.msk [tilespmem:v53+s16+$0x0], $0xffff  }
0xe7: {  	v40 =	vor.u32 v2, v30;
	v38 =	vmul.f32 $2.500000000e-01, v47;
	v56 =	vld.idx.msk [tilespmem:v54+s17+$0x0], $0xffff;
	v46 =	vmul.f32 v45, v60  }
0xe8: {  	v58 =	vor.u32 v63, v61;
	v59, _, _ =	vpop (xrf2);
	v47 =	vor.u32 v4, v5;
	(xrf2) =	vadd.scan.msk.f32 $0xffff, v52;
	(erf) = vpow2.f32 v55  }
0xe9: {  	s30 =	simm.s32 $0x7;
	v49 =	vor.u32 v33, v22;
	v42 =	vperm.xlane v59, v9;
	v38 =	vmul.f32 $1.442695020e+00, v38;
	(xrf2) =	vadd.scan.msk.f32 $0xffff, v46  }
0xea: {  	v26 =	vmovc v57;
	v4 =	vor.u32 v33, v61;
	v55 =	vadd.s32 v31, v57;
	v45 =	vmov s30  }
0xeb: {  	v20 =	vmovc v61;
	v19 =	vmovc v25;
	v41 =	vmul.f32 $2.500000000e-01, v42;
	v42 =	vor.u32 v63, v29;
	(erf) = vpow2.f32 v38  }
0xec: {  	s31 =	simm.s32 $0x6;
	v21 =	vmovc v1;
	v62 =	vmovc v18;
	v24 =	vshll.u32 v45, $0x7;
	v37 =	vshll.u32 v45, $0x8;
	v48 =	vmul.f32 v56, v48  }
0xed: {  	v18 =	vmovc v11;
	v11 =	vmovc v5;
	v43 =	vld.idx.msk [tilespmem:v58+s17+$0x0], $0xffff;
	v53 =	vor.u32 v0, v24;
	v38 =	vmul.f32 $1.442695020e+00, v41;
	v46 =	vmov s31  }
0xee: {  	v60 =	vperm.xlane v6, v9;
	v54 =	vor.u32 v0, v37;
	v5 =	vshll.u32 v46, $0x7;
	v56, _, _ =	vpop (xrf2)  }
0xef: {  	v7 =	vmovc v3;
	(erf) = vpow2.f32 v38;
	(xrf2) =	vadd.scan.msk.f32 $0xffff, v48;
	v48 =	vor.u32 v0, v5;
	v56 =	vperm.xlane v56, v9  }
0xf0: {  	v1 =	vmovc v16;
	v3 =	vmovc v34;
	v51 =	vld.idx.msk [tilespmem:v40+s17+$0x0], $0xffff;
	v40 =	vor.u32 v63, v34;
	v50 =	vmul.f32 $2.500000000e-01, v60;
	v38 =	vshll.u32 v46, $0x8  }
0xf1: {  	v57 =	vadd.s32 $0x84, v57;
	v59 =	vor.u32 v0, v38;
	v15 =	vld.idx.msk [tilespmem:v42+s17+$0x0], $0xffff;
	v58 =	vpop (erf);
	v56 =	vmul.f32 $2.500000000e-01, v56  }
0xf2: {  	v61 =	vadd.s32 v31, v25;
	v28 =	vmul.f32 $1.442695020e+00, v50;
	v53 =	vld.idx.msk [tilespmem:v53+s16+$0x0], $0xffff;
	v60, _, _ =	vpop (xrf2);
	v52 =	vmul.f32 v58, v43  }
0xf3: {  	v6 =	vadd.s32 $0x80, v39;
	v54 =	vld.idx.msk [tilespmem:v54+s17+$0x0], $0xffff;
	v60 =	vperm.xlane v60, v9;
	v56 =	vmul.f32 $1.442695020e+00, v56;
	v34, _, _ =	vpop (xrf2)  }
0xf4: {  	[tilespmem:v55+s19+$0x0] =	vst.idx.msk $0xffff, v52;
	v16 =	vld.idx.msk [tilespmem:v48+s16+$0x0], $0xffff;
	v52 =	vadd.s32 v0, v39;
	v48 =	vperm.xlane v34, v9  }
0xf5: {  	v55 =	vpop (erf);
	v0 =	vor.u32 v33, v29;
	v60 =	vmul.f32 $2.500000000e-01, v60;
	(erf) = vpow2.f32 v56  }
0xf6: {  	[tilespmem:v57+s19+$0x0] =	vst.idx.msk $0x1, v58;
	v58 =	vld.idx.msk [tilespmem:v59+s17+$0x0], $0xffff;
	v51 =	vmul.f32 v55, v51;
	v59 =	vor.u32 v63, v23  }
0xf7: {  	v41 =	vmovc v22;
	v42 =	vmovc v29;
	v63 =	vor.u32 v33, v8;
	v56 =	vmul.f32 $1.442695020e+00, v60;
	v60 =	vadd.s32 $0x84, v25  }
0xf8: {  	v54 =	vmul.f32 v54, v53;
	v53 =	vor.u32 v13, v30;
	v22 =	vld.idx.msk [tilespmem:v49+s16+$0x0], $0xffff;
	v36 =	vmul.f32 $2.500000000e-01, v48;
	v48 =	vpop (erf)  }
0xf9: {  	v43 =	vmov v8;
	v4 =	vld.idx.msk [tilespmem:v4+s17+$0x0], $0xffff;
	(erf) = vpow2.f32 v56;
	v57, _, _ =	vpop (xrf2);
	[tilespmem:v52+s19+$0x0] =	vst.idx.msk $0xffff, v51;
	v56 =	vmul.f32 v48, v15  }
0xfa: {  	v29 =	vmov v10;
	v51 =	vor.u32 v13, v12;
	v49 =	vperm.xlane v57, v9;
	[tilespmem:v6+s19+$0x0] =	vst.idx.msk $0x1, v55  }
0xfb: {  	(xrf2) =	vadd.scan.msk.f32 $0xffff, v54;
	v52 =	vld.idx.msk [tilespmem:v40+s17+$0x0], $0xffff;
	v36 =	vmul.f32 $1.442695020e+00, v36;
	v40 =	vmul.f32 v58, v16;
	[tilespmem:v61+s19+$0x0] =	vst.idx.msk $0xffff, v56  }
0xfc: {  	(erf) = vpow2.f32 v28;
	v50 =	vld.idx.msk [tilespmem:v59+s17+$0x0], $0xffff;
	v55 =	vadd.s32 $0x84, v10;
	v57 =	vor.u32 v33, v14;
	[tilespmem:v60+s19+$0x0] =	vst.idx.msk $0x1, v48  }
0xfd: {  	v34 =	vmovc v23;
	v25 =	vmovc v12;
	v58 =	vmul.f32 $2.500000000e-01, v49;
	(erf) = vpow2.f32 v36;
	v56 =	vadd.s32 v31, v10;
	v49 =	vld.idx.msk [tilespmem:v63+s16+$0x0], $0xffff  }
0xfe: {  	s21 =	simm.s32 $0xA;
	(xrf2) =	vadd.scan.msk.f32 $0xffff, v40;
	v48 =	vor.u32 v2, v32;
	v60 =	vmul.f32 v4, v22;
	v63 =	vmov v14;
	v54 =	vld.idx.msk [tilespmem:v0+s17+$0x0], $0xffff;
	v59 =	vpop (erf)  }
.LBB2_3:
0xff: {  	_ = 	snop  }
0x100: {  	[tilespmem:$0x1FEF0] =	vst v25;
	v0 =	vmul.f32 v59, v52  }
0x101: {  	v47 =	vld.idx.msk [tilespmem:v47+s17+$0x0], $0xffff;
	v16 =	vmov v62;
	v61 =	vadd.s32 v31, v62;
	[tilespmem:$0x1FF00] =	vst v63  }
0x102: {  	v25 =	vmovc v42;
	v42 =	vmov v17;
	v17 =	vmov v63;
	v63 =	vadd.s32 $0x84, v16;
	[tilespmem:v56+s19+$0x0] =	vst.idx.msk $0xffff, v0;
	v0 =	vld [tilespmem:$0x1FF60]  }
0x103: {  	v62 =	vor.u32 v33, v3;
	v51 =	vld.idx.msk [tilespmem:v51+s16+$0x0], $0xffff;
	v36 =	vpop (erf)  }
0x104: {  	v53 =	vld.idx.msk [tilespmem:v53+s17+$0x0], $0xffff;
	v2 =	vor.u32 v33, v35;
	(xrf2) =	vadd.scan.msk.f32 $0xffff, v60;
	v50 =	vmul.f32 v36, v50  }
0x105: {  	v12 =	vmovc v3;
	v48 =	vld.idx.msk [tilespmem:v48+s17+$0x0], $0xffff;
	v23 =	vmov v34;
	v14 =	vmov v13;
	v3 =	vmov v7;
	[tilespmem:v55+s19+$0x0] =	vst.idx.msk $0x1, v59  }
0x106: {  	v44 =	vmul.u32 $0x88, v44;
	v6 =	vld [tilespmem:$0x1FF80];
	v56 =	vor.u32 v33, v34;
	v55 =	vadd.s32 v14, v21;
	v34, _, _ =	vpop (xrf2);
	[tilespmem:v61+s19+$0x0] =	vst.idx.msk $0xffff, v50  }
0x107: {  	v58 =	vmul.f32 $1.442695020e+00, v58;
	[tilespmem:v63+s19+$0x0] =	vst.idx.msk $0x1, v36;
	v36 =	vperm.xlane v34, v9;
	v60 =	vor.u32 v0, v7;
	v7 =	vld [tilespmem:$0x1FFC0]  }
0x108: {  	v49 =	vmul.f32 v54, v49;
	v54 =	vadd.s32 $0x81, v21;
	v59 =	vpop (erf);
	v57 =	vld.idx.msk [tilespmem:v57+s16+$0x0], $0xffff;
	v34 =	vlaneseq.u32  }
0x109: {  	(erf) = vpow2.f32 v58;
	v47 =	vmul.f32 v59, v47;
	v50 =	vld.idx.msk [tilespmem:v62+s17+$0x0], $0xffff;
	v61 =	vadd.s32 v34, v44  }
0x10a: {  	v52 =	vadd.s32 $0x80, v44;
	v51 =	vmul.f32 v53, v51;
	v53 =	vpop (erf);
	v2 =	vld.idx.msk [tilespmem:v2+s16+$0x0], $0xffff  }
0x10b: {  	(xrf2) =	vadd.scan.msk.f32 $0xffff, v49;
	v63 =	vor.u32 v14, v42;
	v56 =	vld.idx.msk [tilespmem:v56+s17+$0x0], $0xffff;
	[tilespmem:v55+s19+$0x0] =	vst.idx.msk $0xffff, v47;
	v47 =	vmul.f32 $2.500000000e-01, v36;
	v36, _, _ =	vpop (xrf2)  }
0x10c: {  	v48 =	vmul.f32 v53, v48;
	v55 =	vperm.xlane v36, v9;
	v58 =	vor.u32 v7, v1  }
0x10d: {  	(xrf2) =	vadd.scan.msk.f32 $0xffff, v51;
	v47 =	vmul.f32 $1.442695020e+00, v47;
	v49 =	vor.u32 v7, v11;
	v60 =	vld.idx.msk [tilespmem:v60+s17+$0x0], $0xffff;
	[tilespmem:v54+s19+$0x0] =	vst.idx.msk $0x1, v59  }
0x10e: {  	v15 =	vld [tilespmem:$0x1FFE0];
	v51 =	vor.u32 v14, v32;
	v50 =	vmul.f32 v50, v57;
	v36, _, _ =	vpop (xrf2);
	[tilespmem:v61+s19+$0x0] =	vst.idx.msk $0xffff, v48;
	v55 =	vmul.f32 $2.500000000e-01, v55  }
0x10f: {  	v57 =	vor.u32 v6, v37;
	(erf) = vpow2.f32 v47;
	v59 =	vperm.xlane v36, v9;
	[tilespmem:v52+s19+$0x0] =	vst.idx.msk $0x1, v53  }
0x110: {  	v62 =	vadd.s32 v33, v18;
	(xrf2) =	vadd.scan.msk.f32 $0xffff, v50;
	v2 =	vmul.f32 v56, v2;
	v36 =	vmul.f32 $1.442695020e+00, v55;
	v55 =	vld.idx.msk [tilespmem:v63+s16+$0x0], $0xffff  }
0x111: {  	v8 =	vmov s21;
	v53 =	vor.u32 v6, v38;
	v54 =	vld.idx.msk [tilespmem:v58+s16+$0x0], $0xffff  }
0x112: {  	v52 =	vpop (erf);
	(xrf2) =	vadd.scan.msk.f32 $0xffff, v2;
	v63 =	vmul.f32 $2.500000000e-01, v59;
	v58 =	vadd.s32 $0x85, v18;
	v4 =	vld.idx.msk [tilespmem:v49+s17+$0x0], $0xffff;
	(erf) = vpow2.f32 v36  }
0x113: {  	v45 =	vmul.u32 $0x88, v45;
	v50 =	vor.u32 v15, v27;
	v51 =	vld.idx.msk [tilespmem:v51+s17+$0x0], $0xffff;
	v61 =	vmul.f32 v52, v60  }
0x114: {  	v2 =	vld.idx.msk [tilespmem:v57+s17+$0x0], $0xffff;
	v36 =	vor.u32 v15, v3;
	v56 =	vmul.f32 $1.442695020e+00, v63;
	v49 =	vshll.u32 v8, $0x7  }
0x115: {  	v46 =	vmul.u32 $0x88, v46;
	v60 =	vadd.s32 $0x80, v45;
	v59 =	vor.u32 v34, v49;
	[tilespmem:v62+s19+$0x0] =	vst.idx.msk $0xffff, v61;
	v62, _, _ =	vpop (xrf2)  }
0x116: {  	(erf) = vpow2.f32 v56;
	v56 =	vadd.s32 v34, v45;
	v63 =	vperm.xlane v62, v9  }
0x117: {  	v53 =	vld.idx.msk [tilespmem:v53+s17+$0x0], $0xffff;
	[tilespmem:v58+s19+$0x0] =	vst.idx.msk $0x1, v52;
	v6 =	vmul.f32 v4, v54;
	v54 =	vor.u32 v0, v20  }
0x118: {  	v61 =	vor.u32 v14, v24;
	v52 =	vmul.f32 $2.500000000e-01, v63;
	v58 =	vor.u32 v0, v25;
	v4 =	vpop (erf);
	v50 =	vld.idx.msk [tilespmem:v50+s16+$0x0], $0xffff  }
0x119: {  	v57, _, _ =	vpop (xrf2);
	v51 =	vmul.f32 v51, v55;
	v55 =	vadd.s32 v34, v46;
	v48 =	vld.idx.msk [tilespmem:v36+s17+$0x0], $0xffff;
	v10 =	vmul.f32 v4, v2  }
0x11a: {  	v62 =	vor.u32 v14, v37;
	v36, _, _ =	vpop (xrf2);
	(xrf2) =	vadd.scan.msk.f32 $0xffff, v6;
	v52 =	vmul.f32 $1.442695020e+00, v52;
	v6 =	vadd.s32 $0x80, v46  }
0x11b: {  	v63 =	vperm.xlane v36, v9;
	[tilespmem:v56+s19+$0x0] =	vst.idx.msk $0xffff, v10;
	v56 =	vor.u32 v14, v38;
	v2 =	vpop (erf)  }
0x11c: {  	v36, _, _ =	vpop (xrf2);
	(xrf2) =	vadd.scan.msk.f32 $0xffff, v51;
	(erf) = vpow2.f32 v52;
	v52 =	vor.u32 v14, v5;
	v54 =	vld.idx.msk [tilespmem:v54+s17+$0x0], $0xffff;
	v53 =	vmul.f32 v2, v53  }
0x11d: {  	v36 =	vperm.xlane v36, v9;
	[tilespmem:v60+s19+$0x0] =	vst.idx.msk $0x1, v4;
	v4 =	vmul.f32 $2.500000000e-01, v63;
	v51 =	vld.idx.msk [tilespmem:v58+s17+$0x0], $0xffff  }
0x11e: {  	v60 =	vld.idx.msk [tilespmem:v61+s16+$0x0], $0xffff;
	v58 =	vadd.s32 v33, v26;
	v48 =	vmul.f32 v48, v50;
	[tilespmem:v55+s19+$0x0] =	vst.idx.msk $0xffff, v53  }
0x11f: {  	v53 =	vld.idx.msk [tilespmem:v62+s17+$0x0], $0xffff;
	[tilespmem:v6+s19+$0x0] =	vst.idx.msk $0x1, v2;
	v6 =	vmul.f32 $2.500000000e-01, v36;
	v36 =	vor.u32 v0, v12  }
0x120: {  	[tilespmem:$0x1FF20] =	vst v8;
	v4 =	vmul.f32 $1.442695020e+00, v4;
	v55 =	vadd.s32 $0x85, v26;
	v62 =	vpop (erf);
	v2 =	vperm.xlane v57, v9  }
0x121: {  	(xrf2) =	vadd.scan.msk.f32 $0xffff, v48;
	v48 =	vshll.u32 v8, $0x8;
	v8 =	vor.u32 v0, v23;
	v52 =	vld.idx.msk [tilespmem:v52+s16+$0x0], $0xffff;
	v54 =	vmul.f32 v62, v54  }
0x122: {  	v40 =	vmovc v1;
	v1 =	vmovc v11;
	v61 =	vor.u32 v15, v41;
	(erf) = vpow2.f32 v4;
	v4 =	vld.idx.msk [tilespmem:v56+s17+$0x0], $0xffff;
	v11 =	vmul.f32 $1.442695020e+00, v6  }
0x123: {  	v57 =	vor.u32 v15, v20;
	v2 =	vmul.f32 $2.500000000e-01, v2;
	[tilespmem:v58+s19+$0x0] =	vst.idx.msk $0xffff, v54;
	v54 =	vld.idx.msk [tilespmem:v59+s16+$0x0], $0xffff  }
0x124: {  	v56 =	vadd.s32 v33, v19;
	v63, _, _ =	vpop (xrf2);
	(erf) = vpow2.f32 v11;
	v53 =	vmul.f32 v53, v60;
	v50 =	vld.idx.msk [tilespmem:v36+s17+$0x0], $0xffff  }
0x125: {  	v10 =	vadd.s32 $0x85, v19;
	v6 =	vpop (erf);
	v36 =	vld [tilespmem:$0x1FF70]  }
0x126: {  	v2 =	vmul.f32 $1.442695020e+00, v2;
	v58 =	vor.u32 v15, v43;
	[tilespmem:v55+s19+$0x0] =	vst.idx.msk $0x1, v62;
	v62, _, _ =	vpop (xrf2);
	v8 =	vld.idx.msk [tilespmem:v8+s17+$0x0], $0xffff;
	(xrf2) =	vadd.scan.msk.f32 $0xffff, v53  }
0x127: {  	v13 =	vmovc v21;
	v22 =	vmov v29;
	v59 =	vor.u32 v34, v48;
	v51 =	vmul.f32 v6, v51;
	v61 =	vld.idx.msk [tilespmem:v61+s16+$0x0], $0xffff  }
0x128: {  	v47 =	vmovc v24;
	v55 =	vor.u32 v15, v25;
	v62 =	vperm.xlane v62, v9;
	(erf) = vpow2.f32 v2;
	v2 =	vld.idx.msk [tilespmem:v57+s17+$0x0], $0xffff  }
0x129: {  	v4 =	vmul.f32 v4, v52;
	v52 =	vadd.s32 $0x85, v22;
	[tilespmem:v56+s19+$0x0] =	vst.idx.msk $0xffff, v51;
	v51 =	vadd.s32 v33, v29  }
0x12a: {  	v24 =	vld [tilespmem:$0x1FF90];
	v57 =	vadd.s32 v14, v39;
	v29 =	vmov v13;
	[tilespmem:v10+s19+$0x0] =	vst.idx.msk $0x1, v6;
	v60 =	vor.u32 v36, v30  }
0x12b: {  	v56 =	vmul.f32 $2.500000000e-01, v62;
	(xrf2) =	vadd.scan.msk.f32 $0xffff, v4;
	v4 =	vor.u32 v15, v17;
	v62 =	vadd.s32 v33, v16;
	v53 =	vld.idx.msk [tilespmem:v58+s16+$0x0], $0xffff;
	v58 =	vpop (erf)  }
0x12c: {  	v13 =	vmovc v5;
	v5 =	vmovc v14;
	v14 =	vadd.s32 $0x85, v16;
	v6 =	vperm.xlane v63, v9;
	v17 =	vmul.f32 v58, v50  }
0x12d: {  	[tilespmem:$0x1FF10] =	vst v35;
	v0 =	vor.u32 v15, v35;
	v35 =	vld [tilespmem:$0x1FEF0];
	v63 =	vor.u32 v15, v12;
	v56 =	vmul.f32 $1.442695020e+00, v56;
	v50 =	vpop (erf)  }
0x12e: {  	v21 =	vmov v16;
	v55 =	vld.idx.msk [tilespmem:v55+s17+$0x0], $0xffff;
	v6 =	vmul.f32 $2.500000000e-01, v6;
	[tilespmem:v51+s19+$0x0] =	vst.idx.msk $0xffff, v17;
	v8 =	vmul.f32 v50, v8  }
0x12f: {  	v10 =	vor.u32 v24, v1;
	v16, _, _ =	vpop (xrf2);
	v2 =	vmul.f32 v2, v61;
	[tilespmem:v52+s19+$0x0] =	vst.idx.msk $0x1, v58;
	v60 =	vld.idx.msk [tilespmem:v60+s17+$0x0], $0xffff  }
0x130: {  	v59 =	vld.idx.msk [tilespmem:v59+s17+$0x0], $0xffff;
	(erf) = vpow2.f32 v56;
	v51 =	vor.u32 v15, v23;
	v6 =	vmul.f32 $1.442695020e+00, v6;
	[tilespmem:v62+s19+$0x0] =	vst.idx.msk $0xffff, v8;
	v33, _, _ =	vpop (xrf2)  }
0x131: {  	v11 =	vmov v12;
	v12 =	vor.u32 v36, v32;
	[tilespmem:v14+s19+$0x0] =	vst.idx.msk $0x1, v50;
	v14 =	vperm.xlane v33, v9;
	v33 =	vld [tilespmem:$0x1FF50]  }
0x132: {  	v16 =	vperm.xlane v16, v9;
	(xrf2) =	vadd.scan.msk.f32 $0xffff, v2;
	v52 =	vadd.s32 $0x81, v39;
	v4 =	vld.idx.msk [tilespmem:v4+s16+$0x0], $0xffff;
	v56 =	vpop (erf);
	(erf) = vpow2.f32 v6  }
0x133: {  	v2 =	vor.u32 v7, v35;
	v53 =	vmul.f32 v55, v53;
	v8 =	vld.idx.msk [tilespmem:v63+s17+$0x0], $0xffff  }
0x134: {  	v16 =	vmul.f32 $2.500000000e-01, v16;
	v58 =	vor.u32 v7, v30;
	v0 =	vld.idx.msk [tilespmem:v0+s16+$0x0], $0xffff;
	v55 =	vmul.f32 v56, v60  }
0x135: {  	v59 =	vmul.f32 v59, v54;
	v54 =	vadd.s32 v5, v44;
	(xrf2) =	vadd.scan.msk.f32 $0xffff, v53;
	v51 =	vld.idx.msk [tilespmem:v51+s17+$0x0], $0xffff;
	v14 =	vmul.f32 $2.500000000e-01, v14  }
0x136: {  	v12 =	vld.idx.msk [tilespmem:v12+s17+$0x0], $0xffff;
	v17 =	vmov v3;
	v60, _, _ =	vpop (xrf2);
	v6 =	vor.u32 v33, v3;
	[tilespmem:v57+s19+$0x0] =	vst.idx.msk $0xffff, v55;
	v3 =	vimm.s32 $0xF  }
0x137: {  	v10 =	vld.idx.msk [tilespmem:v10+s17+$0x0], $0xffff;
	(xrf2) =	vadd.scan.msk.f32 $0xffff, v59;
	v59 =	vmul.f32 $1.442695020e+00, v14;
	[tilespmem:v52+s19+$0x0] =	vst.idx.msk $0x1, v56;
	v52 =	vperm.xlane v60, v3  }
0x138: {  	v16 =	vmul.f32 $1.442695020e+00, v16;
	v50 =	vadd.s32 v7, v29;
	v4 =	vmul.f32 v8, v4  }
0x139: {  	v9 =	vld [tilespmem:$0x1FFF0];
	v57 =	vpop (erf);
	(erf) = vpow2.f32 v59;
	v8 =	vmul.f32 $2.500000000e-01, v52;
	v52 =	vor.u32 v36, v37  }
0x13a: {  	v62 =	vadd.s32 $0x82, v29;
	(xrf2) =	vadd.scan.msk.f32 $0xffff, v4;
	v0 =	vmul.f32 v51, v0;
	v2 =	vld.idx.msk [tilespmem:v2+s16+$0x0], $0xffff  }
0x13b: {  	v56 =	vadd.s32 $0x81, v44;
	v60 =	vmul.f32 v57, v12;
	v55 =	vld.idx.msk [tilespmem:v58+s17+$0x0], $0xffff;
	(erf) = vpow2.f32 v16;
	v12 =	vpop (erf)  }
0x13c: {  	v61 =	vor.u32 v7, v42;
	v14, _, _ =	vpop (xrf2);
	(xrf2) =	vadd.scan.msk.f32 $0xffff, v0;
	v0 =	vmul.f32 v12, v10;
	v4 =	vmul.f32 $1.442695020e+00, v8  }
0x13d: {  	v28 =	vmov v27;
	v27 =	vmov v30;
	[tilespmem:v54+s19+$0x0] =	vst.idx.msk $0xffff, v60;
	v8 =	vor.u32 v7, v32  }
0x13e: {  	v30 =	vmov v23;
	v63 =	vor.u32 v36, v38;
	[tilespmem:v50+s19+$0x0] =	vst.idx.msk $0xffff, v0;
	(erf) = vpow2.f32 v4;
	v10 =	vld.idx.msk [tilespmem:v52+s17+$0x0], $0xffff  }
0x13f: {  	v23 =	vmov v1;
	v16 =	vor.u32 v9, v1;
	v1 =	vld [tilespmem:$0x1FFD0];
	[tilespmem:v62+s19+$0x0] =	vst.idx.msk $0x1, v12;
	v4 =	vperm.xlane v14, v3;
	v14, _, _ =	vpop (xrf2)  }
0x140: {  	[tilespmem:v56+s19+$0x0] =	vst.idx.msk $0x1, v57;
	v2 =	vmul.f32 v55, v2;
	v6 =	vld.idx.msk [tilespmem:v6+s17+$0x0], $0xffff;
	v14 =	vperm.xlane v14, v3  }
0x141: {  	v53 =	vor.u32 v9, v40;
	v58 =	vor.u32 v7, v37;
	v52 =	vld.idx.msk [tilespmem:v61+s16+$0x0], $0xffff;
	v50, _, _ =	vpop (xrf2);
	v4 =	vmul.f32 $2.500000000e-01, v4  }
0x142: {  	v36 =	vor.u32 v33, v20;
	v55 =	vadd.s32 v5, v45;
	(xrf2) =	vadd.scan.msk.f32 $0xffff, v2;
	v0 =	vld.idx.msk [tilespmem:v8+s17+$0x0], $0xffff;
	v2 =	vmul.f32 $2.500000000e-01, v14;
	v57 =	vpop (erf)  }
0x143: {  	v54 =	vld.idx.msk [tilespmem:v63+s17+$0x0], $0xffff;
	v14 =	vadd.s32 v15, v18;
	v4 =	vmul.f32 $1.442695020e+00, v4;
	v10 =	vmul.f32 v57, v10  }
0x144: {  	v60 =	vadd.s32 $0x81, v46;
	v12 =	vadd.s32 $0x81, v45;
	v56 =	vor.u32 v7, v47;
	v59, _, _ =	vpop (xrf2)  }
0x145: {  	v63 =	vpop (erf);
	v2 =	vmul.f32 $1.442695020e+00, v2;
	(erf) = vpow2.f32 v4;
	v4 =	vld.idx.msk [tilespmem:v16+s17+$0x0], $0xffff;
	v16 =	vadd.s32 v5, v46  }
0x146: {  	v8 =	vor.u32 v1, v28;
	v59 =	vperm.xlane v59, v3;
	v6 =	vmul.f32 v63, v6  }
0x147: {  	v53 =	vld.idx.msk [tilespmem:v53+s16+$0x0], $0xffff;
	v28 =	vor.u32 v7, v13;
	[tilespmem:v55+s19+$0x0] =	vst.idx.msk $0xffff, v10;
	v0 =	vmul.f32 v0, v52;
	v10 =	vpop (erf)  }
0x148: {  	v52 =	vor.u32 v7, v38;
	[tilespmem:v14+s19+$0x0] =	vst.idx.msk $0xffff, v6;
	(erf) = vpow2.f32 v2;
	v2 =	vmul.f32 v10, v54  }
0x149: {  	v51 =	vadd.s32 $0x86, v18;
	v61 =	vor.u32 v33, v25;
	v62 =	vld.idx.msk [tilespmem:v36+s17+$0x0], $0xffff;
	[tilespmem:v12+s19+$0x0] =	vst.idx.msk $0x1, v57;
	v12 =	vmul.f32 $2.500000000e-01, v59  }
0x14a: {  	v55 =	vor.u32 v1, v17;
	v59, _, _ =	vpop (xrf2);
	(xrf2) =	vadd.scan.msk.f32 $0xffff, v0;
	v54 =	vld.idx.msk [tilespmem:v56+s16+$0x0], $0xffff;
	[tilespmem:v16+s19+$0x0] =	vst.idx.msk $0xffff, v2  }
0x14b: {  	v36 =	vperm.xlane v59, v3;
	v0 =	vmul.f32 $1.442695020e+00, v12;
	v2 =	vld.idx.msk [tilespmem:v58+s17+$0x0], $0xffff;
	[tilespmem:v60+s19+$0x0] =	vst.idx.msk $0x1, v10  }
0x14c: {  	v14 =	vor.u32 v1, v41;
	v12 =	vadd.s32 v15, v26;
	v4 =	vmul.f32 v4, v53;
	v28 =	vld.idx.msk [tilespmem:v28+s16+$0x0], $0xffff  }
0x14d: {  	v16 =	vor.u32 v33, v11;
	(erf) = vpow2.f32 v0;
	v10 =	vmul.f32 $2.500000000e-01, v36;
	v0 =	vld.idx.msk [tilespmem:v52+s17+$0x0], $0xffff  }
0x14e: {  	v6 =	vadd.s32 $0x86, v26;
	[tilespmem:v51+s19+$0x0] =	vst.idx.msk $0x1, v63;
	v59 =	vmov v40;
	v40 =	vadd.s32 v15, v21;
	v56 =	vld.idx.msk [tilespmem:v61+s17+$0x0], $0xffff;
	v61, _, _ =	vpop (xrf2)  }
0x14f: {  	v63 =	vperm.xlane v61, v3;
	v33 =	vor.u32 v33, v30;
	(xrf2) =	vadd.scan.msk.f32 $0xffff, v4;
	v51 =	vpop (erf);
	v10 =	vmul.f32 $1.442695020e+00, v10  }
0x150: {  	v4 =	vld.idx.msk [tilespmem:v8+s16+$0x0], $0xffff;
	v8 =	vadd.s32 v15, v19;
	v36 =	vmul.f32 v51, v62;
	v2 =	vmul.f32 v2, v54  }
0x151: {  	v61 =	vadd.s32 $0x86, v19;
	v60 =	vor.u32 v1, v20;
	v62 =	vld.idx.msk [tilespmem:v55+s17+$0x0], $0xffff;
	(erf) = vpow2.f32 v10  }
0x152: {  	v10 =	vmul.f32 $2.500000000e-01, v63;
	v16 =	vld.idx.msk [tilespmem:v16+s17+$0x0], $0xffff;
	[tilespmem:v12+s19+$0x0] =	vst.idx.msk $0xffff, v36;
	(xrf2) =	vadd.scan.msk.f32 $0xffff, v2;
	v0 =	vmul.f32 v0, v28  }
0x153: {  	v36 =	vor.u32 v24, v27;
	v12 =	vpop (erf);
	[tilespmem:v6+s19+$0x0] =	vst.idx.msk $0x1, v51;
	v51 =	vadd.s32 v15, v22;
	v15 =	vld [tilespmem:$0x1FF10]  }
0x154: {  	v6 =	vmul.f32 $1.442695020e+00, v10;
	v2 =	vmul.f32 v12, v56;
	v10 =	vor.u32 v1, v43;
	v63, _, _ =	vpop (xrf2);
	(xrf2) =	vadd.scan.msk.f32 $0xffff, v0;
	v0 =	vld [tilespmem:$0x1FF00]  }
0x155: {  	v52 =	vor.u32 v1, v25;
	v14 =	vld.idx.msk [tilespmem:v14+s16+$0x0], $0xffff  }
0x156: {  	v28 =	vld.idx.msk [tilespmem:v33+s17+$0x0], $0xffff;
	(erf) = vpow2.f32 v6;
	v6 =	vadd.s32 $0x86, v22;
	[tilespmem:v8+s19+$0x0] =	vst.idx.msk $0xffff, v2  }
0x157: {  	v57 =	vmov v49;
	v2 =	vld.idx.msk [tilespmem:v60+s17+$0x0], $0xffff;
	v8 =	vperm.xlane v63, v3;
	[tilespmem:v61+s19+$0x0] =	vst.idx.msk $0x1, v12;
	v12 =	vpop (erf)  }
0x158: {  	v49 =	vor.u32 v1, v11;
	v4 =	vmul.f32 v62, v4;
	v62 =	vld.idx.msk [tilespmem:v36+s17+$0x0], $0xffff;
	v16 =	vmul.f32 v12, v16  }
0x159: {  	v33 =	vadd.s32 $0x86, v21;
	v8 =	vmul.f32 $2.500000000e-01, v8;
	v10 =	vld.idx.msk [tilespmem:v10+s16+$0x0], $0xffff;
	v0 =	vor.u32 v1, v0  }
0x15a: {  	v36 =	vor.u32 v1, v30;
	v60 =	vor.u32 v1, v15;
	[tilespmem:v51+s19+$0x0] =	vst.idx.msk $0xffff, v16;
	v16 =	vld.idx.msk [tilespmem:v52+s17+$0x0], $0xffff;
	v61 =	vpop (erf)  }
0x15b: {  	v52, _, _ =	vpop (xrf2);
	(xrf2) =	vadd.scan.msk.f32 $0xffff, v4;
	[tilespmem:v6+s19+$0x0] =	vst.idx.msk $0x1, v12;
	v6 =	vmul.f32 $1.442695020e+00, v8;
	v28 =	vmul.f32 v61, v28  }
0x15c: {  	v54 =	vld [tilespmem:$0x1FF30];
	v4 =	vor.u32 v24, v32;
	v2 =	vmul.f32 v2, v14;
	v12, _, _ =	vpop (xrf2)  }
0x15d: {  	v8 =	vld.idx.msk [tilespmem:v49+s17+$0x0], $0xffff;
	(erf) = vpow2.f32 v6;
	[tilespmem:v40+s19+$0x0] =	vst.idx.msk $0xffff, v28;
	v6 =	vperm.xlane v12, v3  }
0x15e: {  	v58 =	vmov v35;
	[tilespmem:v33+s19+$0x0] =	vst.idx.msk $0x1, v61;
	v12 =	vadd.s32 v7, v39;
	v0 =	vld.idx.msk [tilespmem:v0+s16+$0x0], $0xffff  }
0x15f: {  	(xrf2) =	vadd.scan.msk.f32 $0xffff, v2;
	v2 =	vadd.s32 $0x82, v39;
	v14 =	vpop (erf);
	v10 =	vmul.f32 v16, v10;
	v28 =	vld.idx.msk [tilespmem:v60+s16+$0x0], $0xffff;
	v6 =	vmul.f32 $2.500000000e-01, v6  }
0x160: {  	v35 =	vmov v42;
	v16 =	vor.u32 v9, v58;
	v40 =	vld.idx.msk [tilespmem:v36+s17+$0x0], $0xffff;
	v33, _, _ =	vpop (xrf2);
	v43 =	vmul.f32 v14, v62  }
0x161: {  	v63 =	vmovc v47;
	v47 =	vor.u32 v9, v27;
	v42 =	vperm.xlane v33, v3;
	(xrf2) =	vadd.scan.msk.f32 $0xffff, v10;
	v6 =	vmul.f32 $1.442695020e+00, v6  }
0x162: {  	v25 =	vor.u32 v54, v25;
	v4 =	vld.idx.msk [tilespmem:v4+s17+$0x0], $0xffff;
	v61 =	vor.u32 v24, v38;
	v36 =	vor.u32 v24, v37  }
0x163: {  	v42 =	vmul.f32 $2.500000000e-01, v42;
	[tilespmem:v12+s19+$0x0] =	vst.idx.msk $0xffff, v43;
	v12 =	vadd.s32 v7, v44;
	(erf) = vpow2.f32 v6  }
0x164: {  	v53 =	vadd.s32 $0x87, v18;
	v55 =	vld [tilespmem:$0x1FF40];
	v0 =	vmul.f32 v8, v0;
	v8 =	vperm.xlane v52, v3;
	[tilespmem:v2+s19+$0x0] =	vst.idx.msk $0x1, v14  }
0x165: {  	v62 =	vor.u32 v9, v32;
	v2 =	vadd.s32 $0x82, v44;
	v14 =	vmul.f32 v40, v28;
	v6 =	vld.idx.msk [tilespmem:v16+s16+$0x0], $0xffff;
	v16, _, _ =	vpop (xrf2)  }
0x166: {  	v28 =	vor.u32 v9, v35;
	v40 =	vld.idx.msk [tilespmem:v47+s17+$0x0], $0xffff;
	v47 =	vpop (erf);
	(xrf2) =	vadd.scan.msk.f32 $0xffff, v0;
	v0 =	vmul.f32 $1.442695020e+00, v42;
	v8 =	vmul.f32 $2.500000000e-01, v8  }
0x167: {  	v60 =	vmovc v48;
	v48 =	vadd.s32 v9, v29;
	v16 =	vperm.xlane v16, v3;
	v4 =	vmul.f32 v47, v4  }
0x168: {  	v10 =	vor.u32 v54, v17;
	v17 =	vmovc v23;
	(xrf2) =	vadd.scan.msk.f32 $0xffff, v14;
	v14 =	vld.idx.msk [tilespmem:v36+s17+$0x0], $0xffff;
	(erf) = vpow2.f32 v0;
	v0 =	vmul.f32 $1.442695020e+00, v8  }
0x169: {  	v56 =	vmov v13;
	v41 =	vld.idx.msk [tilespmem:v61+s17+$0x0], $0xffff;
	v33, _, _ =	vpop (xrf2);
	v36 =	vor.u32 v55, v17;
	[tilespmem:v12+s19+$0x0] =	vst.idx.msk $0xffff, v4;
	v4 =	vmul.f32 $2.500000000e-01, v16  }
0x16a: {  	v12 =	vperm.xlane v33, v3;
	[tilespmem:v2+s19+$0x0] =	vst.idx.msk $0x1, v47;
	(erf) = vpow2.f32 v0;
	v0 =	vadd.s32 v7, v45  }
0x16b: {  	v8 =	vor.u32 v31, v59;
	v16 =	vperm.xlane v50, v3;
	v2 =	vld.idx.msk [tilespmem:v28+s16+$0x0], $0xffff;
	v4 =	vmul.f32 $1.442695020e+00, v4;
	v28, _, _ =	vpop (xrf2)  }
0x16c: {  	v47 =	vadd.s32 $0x82, v45;
	v6 =	vmul.f32 v40, v6;
	v43 =	vld.idx.msk [tilespmem:v62+s17+$0x0], $0xffff;
	v13 =	vperm.xlane v28, v3;
	v61 =	vpop (erf)  }
0x16d: {  	v33 =	vor.u32 v9, v37;
	(erf) = vpow2.f32 v4;
	v4 =	vmul.f32 v61, v14  }
0x16e: {  	v12 =	vmul.f32 $2.500000000e-01, v12;
	(xrf2) =	vadd.scan.msk.f32 $0xffff, v6;
	v6 =	vmul.f32 $2.500000000e-01, v13;
	v14 =	vor.u32 v9, v63  }
0x16f: {  	v62 =	vadd.s32 v7, v46;
	v49 =	vld.idx.msk [tilespmem:v36+s17+$0x0], $0xffff;
	[tilespmem:v0+s19+$0x0] =	vst.idx.msk $0xffff, v4;
	v4 =	vor.u32 v54, v20  }
0x170: {  	v12 =	vmul.f32 $1.442695020e+00, v12;
	v36 =	vadd.s32 $0x82, v46;
	v6 =	vmul.f32 $1.442695020e+00, v6;
	v28, _, _ =	vpop (xrf2)  }
0x171: {  	v10 =	vld.idx.msk [tilespmem:v10+s17+$0x0], $0xffff;
	v2 =	vmul.f32 v43, v2;
	v7 =	vperm.xlane v28, v3;
	v0 =	vpop (erf);
	[tilespmem:v47+s19+$0x0] =	vst.idx.msk $0x1, v61  }
0x172: {  	(erf) = vpow2.f32 v12;
	v12 =	vor.u32 v9, v56;
	v28, _, _ =	vpop (xrf2);
	v41 =	vmul.f32 v0, v41;
	v33 =	vld.idx.msk [tilespmem:v33+s17+$0x0], $0xffff  }
0x173: {  	v47 =	vor.u32 v9, v38;
	v28 =	vperm.xlane v28, v3;
	v20 =	vmul.f32 $2.500000000e-01, v7;
	v14 =	vld.idx.msk [tilespmem:v14+s16+$0x0], $0xffff;
	v61 =	vpop (erf)  }
0x174: {  	v40 =	vadd.s32 $0x83, v29;
	(erf) = vpow2.f32 v6;
	[tilespmem:v62+s19+$0x0] =	vst.idx.msk $0xffff, v41;
	v49 =	vmul.f32 v61, v49;
	v4 =	vld.idx.msk [tilespmem:v4+s17+$0x0], $0xffff  }
0x175: {  	(xrf2) =	vadd.scan.msk.f32 $0xffff, v2;
	v7 =	vmul.f32 $2.500000000e-01, v28;
	v20 =	vmul.f32 $1.442695020e+00, v20;
	[tilespmem:v36+s19+$0x0] =	vst.idx.msk $0x1, v0;
	v36 =	vmovc v5;
	v5 =	vld [tilespmem:$0x1FF20]  }
0x176: {  	v16 =	vmul.f32 $2.500000000e-01, v16;
	v2 =	vadd.s32 v1, v18;
	v6 =	vor.u32 v31, v17;
	[tilespmem:v48+s19+$0x0] =	vst.idx.msk $0xffff, v49;
	v49 =	vld [tilespmem:$0x1FF80]  }
0x177: {  	v0 =	vor.u32 v54, v11;
	v12 =	vld.idx.msk [tilespmem:v12+s16+$0x0], $0xffff;
	v24 =	vmul.f32 $1.442695020e+00, v7;
	v28 =	vpop (erf);
	(erf) = vpow2.f32 v20  }
0x178: {  	v23 =	vor.u32 v54, v30;
	v16 =	vmul.f32 $1.442695020e+00, v16;
	v42 =	vld.idx.msk [tilespmem:v47+s17+$0x0], $0xffff;
	v52, _, _ =	vpop (xrf2);
	v10 =	vmul.f32 v28, v10  }
0x179: {  	v30 =	vadd.s32 $0x87, v22;
	v25 =	vld.idx.msk [tilespmem:v25+s17+$0x0], $0xffff;
	[tilespmem:v40+s19+$0x0] =	vst.idx.msk $0x1, v61;
	(erf) = vpow2.f32 v24;
	v24 =	vperm.xlane v52, v3  }
0x17a: {  	v54 =	vadd.s32 v1, v26;
	v26 =	vadd.s32 $0x87, v26;
	v8 =	vld.idx.msk [tilespmem:v8+s16+$0x0], $0xffff;
	v11 =	vmul.f32 v33, v14  }
0x17b: {  	v6 =	vld.idx.msk [tilespmem:v6+s17+$0x0], $0xffff;
	[tilespmem:v2+s19+$0x0] =	vst.idx.msk $0xffff, v10;
	v61 =	vpop (erf);
	(erf) = vpow2.f32 v16;
	v16 =	vmul.f32 $2.500000000e-01, v24;
	v62 =	vor.u32 v49, v60  }
0x17c: {  	v10 =	vadd.s32 $0x87, v19;
	v0 =	vld.idx.msk [tilespmem:v0+s17+$0x0], $0xffff;
	v24 =	vadd.s32 v1, v19;
	(xrf2) =	vadd.scan.msk.f32 $0xffff, v11;
	v4 =	vmul.f32 v61, v4  }
0x17d: {  	v20 =	vmul.u32 $0x88, v5;
	v5 =	vmovc v29;
	v29 =	vmovc v27;
	v12 =	vmul.f32 v42, v12;
	v11 =	vmul.f32 $1.442695020e+00, v16  }
0x17e: {  	v2 =	vld.idx.msk [tilespmem:v23+s17+$0x0], $0xffff;
	v23 =	vadd.s32 v1, v22;
	[tilespmem:v53+s19+$0x0] =	vst.idx.msk $0x1, v28;
	v28 =	vor.u32 v55, v29;
	v14 =	vpop (erf)  }
0x17f: {  	v22, _, _ =	vpop (xrf2);
	v19 =	vmul.f32 v14, v25;
	[tilespmem:v54+s19+$0x0] =	vst.idx.msk $0xffff, v4;
	(xrf2) =	vadd.scan.msk.f32 $0xffff, v12;
	(erf) = vpow2.f32 v11  }
0x180: {  	v7 =	vmov v20;
	v12 =	vadd.s32 v1, v21;
	[tilespmem:v26+s19+$0x0] =	vst.idx.msk $0x1, v61;
	v4 =	vld.idx.msk [tilespmem:v62+s17+$0x0], $0xffff;
	v16 =	vpop (erf)  }
0x181: {  	v26 =	vadd.s32 $0x87, v21;
	[tilespmem:v24+s19+$0x0] =	vst.idx.msk $0xffff, v19;
	v24 =	vperm.xlane v22, v3;
	v0 =	vmul.f32 v16, v0  }
0x182: {  	v6 =	vmul.f32 v6, v8;
	v62 =	vadd.s32 v34, v7;
	[tilespmem:v10+s19+$0x0] =	vst.idx.msk $0x1, v14;
	v10 =	vpop (erf)  }
0x183: {  	v8 =	vmul.f32 $2.500000000e-01, v24;
	v2 =	vmul.f32 v10, v2;
	[tilespmem:v23+s19+$0x0] =	vst.idx.msk $0xffff, v0  }
0x184: {  	v25 =	vmov v32;
	v21 =	vmov v7;
	v14 =	vld.idx.msk [tilespmem:v28+s17+$0x0], $0xffff;
	v0 =	vadd.s32 $0x80, v7;
	v28 =	vpop (erf);
	[tilespmem:v30+s19+$0x0] =	vst.idx.msk $0x1, v16  }
0x185: {  	v7 =	vmul.f32 $1.442695020e+00, v8;
	v8 =	vor.u32 v55, v25;
	[tilespmem:v12+s19+$0x0] =	vst.idx.msk $0xffff, v2;
	v2 =	vmul.f32 v28, v4  }
0x186: {  	(xrf2) =	vadd.scan.msk.f32 $0xffff, v6;
	v16 =	vor.u32 v36, v57;
	v12, _, _ =	vpop (xrf2);
	v4 =	vor.u32 v36, v60;
	[tilespmem:v26+s19+$0x0] =	vst.idx.msk $0x1, v10  }
0x187: {  	s22 =	sadd.s32 $0x4, s21;
	v10 =	vadd.s32 v9, v39;
	[tilespmem:v62+s19+$0x0] =	vst.idx.msk $0xffff, v2;
	v2 =	vperm.xlane v12, v3  }
0x188: {  	v48 =	vmov s22;
	(erf) = vpow2.f32 v7;
	v12 =	vadd.s32 $0x83, v39;
	v6 =	vpop (erf)  }
0x189: {  	v23 =	vshll.u32 v48, $0x7;
	v40, _, _ =	vpop (xrf2);
	[tilespmem:v0+s19+$0x0] =	vst.idx.msk $0x1, v28;
	v0 =	vor.u32 v31, v58;
	v2 =	vmul.f32 $2.500000000e-01, v2  }
0x18a: {  	v14 =	vmul.f32 v6, v14;
	v28 =	vor.u32 v31, v29;
	v32 =	vperm.xlane v40, v3;
	v8 =	vld.idx.msk [tilespmem:v8+s17+$0x0], $0xffff  }
0x18b: {  	v41 =	vor.u32 v34, v23;
	v30 =	vshll.u32 v48, $0x8;
	v16 =	vld.idx.msk [tilespmem:v16+s16+$0x0], $0xffff;
	v2 =	vmul.f32 $1.442695020e+00, v2  }
0x18c: {  	v43 =	vmov v37;
	v42 =	vor.u32 v34, v30;
	v4 =	vld.idx.msk [tilespmem:v4+s17+$0x0], $0xffff;
	[tilespmem:v10+s19+$0x0] =	vst.idx.msk $0xffff, v14;
	v10 =	vmul.f32 $2.500000000e-01, v32  }
0x18d: {  	v40 =	vld [tilespmem:$0x1FFB0];
	v14 =	vor.u32 v55, v43;
	[tilespmem:v12+s19+$0x0] =	vst.idx.msk $0x1, v6;
	(erf) = vpow2.f32 v2  }
0x18e: {  	v61 =	vmov v44;
	v7 =	vmul.f32 $1.442695020e+00, v10;
	v0 =	vld.idx.msk [tilespmem:v0+s16+$0x0], $0xffff  }
0x18f: {  	v1 =	vmovc v57;
	v22 =	vmovc v45;
	v45 =	vadd.s32 $0x83, v61;
	v57 =	vmov v38;
	v6 =	vadd.s32 v9, v61;
	v10 =	vld.idx.msk [tilespmem:v28+s17+$0x0], $0xffff  }
0x190: {  	v11 =	vmov v46;
	v44 =	vor.u32 v55, v57;
	v12, _, _ =	vpop (xrf2);
	v28 =	vld.idx.msk [tilespmem:v41+s16+$0x0], $0xffff;
	(erf) = vpow2.f32 v7  }
0x191: {  	v46 =	vor.u32 v31, v35;
	v12 =	vperm.xlane v12, v3;
	v4 =	vmul.f32 v4, v16;
	v16 =	vld.idx.msk [tilespmem:v42+s17+$0x0], $0xffff;
	v2 =	vpop (erf)  }
0x192: {  	v47 =	vor.u32 v31, v25;
	v14 =	vld.idx.msk [tilespmem:v14+s17+$0x0], $0xffff;
	v8 =	vmul.f32 v2, v8  }
0x193: {  	v12 =	vmul.f32 $2.500000000e-01, v12  }
0x194: {  	(xrf2) =	vadd.scan.msk.f32 $0xffff, v4;
	[tilespmem:v6+s19+$0x0] =	vst.idx.msk $0xffff, v8;
	v8 =	vadd.s32 v9, v22  }
0x195: {  	v3 =	vmul.f32 $1.442695020e+00, v12;
	v6 =	vld.idx.msk [tilespmem:v44+s17+$0x0], $0xffff;
	v0 =	vmul.f32 v10, v0;
	v10 =	vadd.s32 $0x83, v22;
	[tilespmem:v45+s19+$0x0] =	vst.idx.msk $0x1, v2  }
0x196: {  	v2 =	vor.u32 v40, v17;
	v12 =	vld.idx.msk [tilespmem:v46+s16+$0x0], $0xffff;
	v16 =	vmul.f32 v16, v28;
	v28 =	vor.u32 v31, v63;
	v4 =	vpop (erf)  }
0x197: {  	(erf) = vpow2.f32 v3;
	v50 =	vld.idx.msk [tilespmem:v47+s17+$0x0], $0xffff;
	(xrf2) =	vadd.scan.msk.f32 $0xffff, v0;
	v0 =	vadd.s32 v9, v11;
	v14 =	vmul.f32 v4, v14  }
0x198: {  	v51 =	vor.u32 v31, v43  }
0x199: {  	[tilespmem:v8+s19+$0x0] =	vst.idx.msk $0xffff, v14;
	v8 =	vpop (erf)  }
0x19a: {  	v33 =	vld [tilespmem:$0x1FFA0];
	v52 =	vadd.s32 $0x83, v11;
	(xrf2) =	vadd.scan.msk.f32 $0xffff, v16;
	v6 =	vmul.f32 v8, v6  }
0x19b: {  	v16 =	vor.u32 v31, v56;
	v2 =	vld.idx.msk [tilespmem:v2+s17+$0x0], $0xffff;
	[tilespmem:v10+s19+$0x0] =	vst.idx.msk $0x1, v4  }
0x19c: {  	s29 =	sadd.s32 $0x3, s21;
	v14 =	vor.u32 v31, v57;
	v4 =	vld.idx.msk [tilespmem:v28+s16+$0x0], $0xffff;
	[tilespmem:v0+s19+$0x0] =	vst.idx.msk $0xffff, v6;
	v6 =	vmul.f32 v50, v12  }
0x19d: {  	v44 =	vmov s29;
	v0 =	vld.idx.msk [tilespmem:v51+s17+$0x0], $0xffff  }
0x19e: {  	v15 =	vmov v17;
	v32 =	vshll.u32 v44, $0x8;
	v12, _, _ =	vpop (xrf2);
	(xrf2) =	vadd.scan.msk.f32 $0xffff, v6  }
0x19f: {  	v17 =	vshll.u32 v44, $0x7;
	v28 =	vadd.s32 v31, v5;
	[tilespmem:v52+s19+$0x0] =	vst.idx.msk $0x1, v8;
	v8 =	vor.u32 v34, v32  }
0x1a0: {  	v10 =	vor.u32 v34, v17;
	v53 =	vpop (erf);
	v16 =	vld.idx.msk [tilespmem:v16+s16+$0x0], $0xffff  }
0x1a1: {  	v9 =	vimm.s32 $0xF;
	v2 =	vmul.f32 v53, v2;
	v6 =	vadd.s32 $0x84, v5;
	v14 =	vld.idx.msk [tilespmem:v14+s17+$0x0], $0xffff;
	v55, _, _ =	vpop (xrf2)  }
0x1a2: {  	v54 =	vor.u32 v33, v59;
	v20 =	vmovc v39;
	v39 =	vperm.xlane v55, v9;
	v0 =	vmul.f32 v0, v4  }
0x1a3: {  	v13 =	vmov v35;
	v35 =	vmov v56;
	v56 =	vor.u32 v33, v15  }
0x1a4: {  	[tilespmem:v28+s19+$0x0] =	vst.idx.msk $0xffff, v2;
	v2 =	vmul.f32 $2.500000000e-01, v39;
	v4 =	vld.idx.msk [tilespmem:v8+s17+$0x0], $0xffff;
	v8, _, _ =	vpop (xrf2);
	(xrf2) =	vadd.scan.msk.f32 $0xffff, v0  }
0x1a5: {  	s30 =	sadd.s32 $0x2, s21;
	v10 =	vld.idx.msk [tilespmem:v10+s16+$0x0], $0xffff;
	v8 =	vperm.xlane v8, v9  }
0x1a6: {  	v45 =	vmov s30;
	[tilespmem:v6+s19+$0x0] =	vst.idx.msk $0x1, v53;
	v3 =	vmul.f32 v14, v16;
	v2 =	vmul.f32 $1.442695020e+00, v2  }
0x1a7: {  	s31 =	sadd.s32 $0x1, s21;
	v42 =	vor.u32 v33, v58;
	v24 =	vshll.u32 v45, $0x7;
	v0 =	vld.idx.msk [tilespmem:v54+s16+$0x0], $0xffff;
	v8 =	vmul.f32 $2.500000000e-01, v8  }
0x1a8: {  	v46 =	vmov s31;
	v16 =	vor.u32 v40, v29;
	v14 =	vld.idx.msk [tilespmem:v56+s17+$0x0], $0xffff;
	(xrf2) =	vadd.scan.msk.f32 $0xffff, v3;
	(erf) = vpow2.f32 v2;
	v6, _, _ =	vpop (xrf2)  }
0x1a9: {  	v38 =	vshll.u32 v46, $0x8;
	v2 =	vmul.f32 $1.442695020e+00, v8;
	v6 =	vperm.xlane v6, v9  }
0x1aa: {  	v27 =	vmovc v59;
	v37 =	vshll.u32 v45, $0x8;
	v50 =	vor.u32 v34, v38;
	v4 =	vmul.f32 v4, v10  }
0x1ab: {  	v18 =	vmovc v5;
	v19 =	vmovc v61;
	v53 =	vor.u32 v40, v43;
	(erf) = vpow2.f32 v2;
	v2 =	vmul.f32 $2.500000000e-01, v6  }
0x1ac: {  	v26 =	vmovc v20;
	v5 =	vshll.u32 v46, $0x7;
	v8 =	vperm.xlane v12, v9;
	v10 =	vor.u32 v49, v30;
	(xrf2) =	vadd.scan.msk.f32 $0xffff, v4  }
0x1ad: {  	v62 =	vmovc v11;
	v12 =	vor.u32 v34, v24;
	v0 =	vmul.f32 v14, v0;
	v6 =	vld.idx.msk [tilespmem:v16+s17+$0x0], $0xffff;
	v2 =	vmul.f32 $1.442695020e+00, v2  }
0x1ae: {  	v55 =	vor.u32 v40, v57;
	v3 =	vld [tilespmem:$0x1FF70];
	v4 =	vor.u32 v40, v25;
	v14 =	vor.u32 v34, v37;
	v28, _, _ =	vpop (xrf2)  }
0x1af: {  	v7 =	vmovc v15;
	v16 =	vadd.s32 v31, v20;
	(xrf2) =	vadd.scan.msk.f32 $0xffff, v0;
	v28 =	vperm.xlane v28, v9;
	(erf) = vpow2.f32 v2  }
0x1b0: {  	v15 =	vmovc v49;
	v39 =	vmul.u32 $0x88, v48;
	v48 =	vor.u32 v33, v29;
	v52 =	vld.idx.msk [tilespmem:v53+s17+$0x0], $0xffff;
	v0 =	vor.u32 v34, v5  }
0x1b1: {  	v56 =	vadd.s32 v31, v22;
	v49 =	vpop (erf);
	v2 =	vld.idx.msk [tilespmem:v10+s17+$0x0], $0xffff;
	v10 =	vadd.s32 $0x84, v20;
	v28 =	vmul.f32 $2.500000000e-01, v28  }
0x1b2: {  	v53 =	vor.u32 v36, v30;
	v8 =	vmul.f32 $2.500000000e-01, v8;
	v12 =	vld.idx.msk [tilespmem:v12+s16+$0x0], $0xffff;
	v59, _, _ =	vpop (xrf2);
	v6 =	vmul.f32 v49, v6  }
0x1b3: {  	v11 =	vmovc v60;
	v47 =	vor.u32 v3, v60;
	v14 =	vld.idx.msk [tilespmem:v14+s17+$0x0], $0xffff;
	v60 =	vperm.xlane v59, v9;
	v28 =	vmul.f32 $1.442695020e+00, v28  }
0x1b4: {  	v3 =	vmov v43;
	v8 =	vmul.f32 $1.442695020e+00, v8;
	v4 =	vld.idx.msk [tilespmem:v4+s17+$0x0], $0xffff;
	[tilespmem:v16+s19+$0x0] =	vst.idx.msk $0xffff, v6;
	v6 =	vadd.s32 v34, v39  }
0x1b5: {  	v54 =	vpop (erf);
	v51 =	vmul.f32 $2.500000000e-01, v60;
	v0 =	vld.idx.msk [tilespmem:v0+s16+$0x0], $0xffff;
	v16 =	vadd.s32 $0x80, v39;
	(erf) = vpow2.f32 v28  }
0x1b6: {  	v34 =	vmov v57;
	v57 =	vadd.s32 $0x84, v61;
	v43, _, _ =	vpop (xrf2);
	[tilespmem:v10+s19+$0x0] =	vst.idx.msk $0x1, v49;
	v10 =	vld.idx.msk [tilespmem:v50+s17+$0x0], $0xffff;
	v50 =	vadd.s32 v31, v61  }
0x1b7: {  	v20 =	vmovc v29;
	v60 =	vor.u32 v33, v13;
	v28 =	vperm.xlane v43, v9;
	v2 =	vmul.f32 v54, v2  }
0x1b8: {  	v12 =	vmul.f32 v14, v12;
	v14 =	vor.u32 v33, v25;
	v29 =	vmul.f32 $1.442695020e+00, v51;
	v61 =	vld.idx.msk [tilespmem:v48+s17+$0x0], $0xffff;
	v48 =	vpop (erf)  }
0x1b9: {  	p0 =	slt.u32 s21, $0x4B;
	v41 =	vmov v58;
	v59 =	vld.idx.msk [tilespmem:v42+s16+$0x0], $0xffff;
	v28 =	vmul.f32 $2.500000000e-01, v28;
	v58, _, _ =	vpop (xrf2);
	[tilespmem:v6+s19+$0x0] =	vst.idx.msk $0xffff, v2;
	v4 =	vmul.f32 v48, v4  }
.Ltmp0:
0x1ba: {  	v51 =	vor.u32 v36, v23;
	(erf) = vpow2.f32 v29;
	v2 =	vperm.xlane v58, v9;
	[tilespmem:v16+s19+$0x0] =	vst.idx.msk $0x1, v54;
	(pc) =	sbr.rel @p0 .LBB2_3-.Ltmp0, $4  }
0x1bb: {  	v43 =	vmovc v13;
	v13 =	vmov v36;
	v6 =	vmul.f32 $1.442695020e+00, v28;
	v0 =	vmul.f32 v10, v0;
	[tilespmem:v50+s19+$0x0] =	vst.idx.msk $0xffff, v4  }
0x1bc: {  	v42 =	vmovc v25;
	v25 =	vmov v23;
	(xrf2) =	vadd.scan.msk.f32 $0xffff, v12;
	(erf) = vpow2.f32 v8;
	v50 =	vld.idx.msk [tilespmem:v55+s17+$0x0], $0xffff;
	[tilespmem:v57+s19+$0x0] =	vst.idx.msk $0x1, v48  }
0x1bd: {  	v29 =	vmovc v22;
	v58 =	vmul.f32 $2.500000000e-01, v2;
	(erf) = vpow2.f32 v6;
	v55 =	vadd.s32 $0x84, v22;
	(xrf2) =	vadd.scan.msk.f32 $0xffff, v0;
	v49 =	vld.idx.msk [tilespmem:v60+s16+$0x0], $0xffff  }
0x1be: {  	s21 =	sadd.s32 $0x5, s21;
	v48 =	vor.u32 v15, v32;
	v57 =	vor.u32 v33, v63;
	v54 =	vld.idx.msk [tilespmem:v14+s17+$0x0], $0xffff;
	v60 =	vmul.f32 v61, v59;
	v59 =	vpop (erf)  }
0x1bf: {  	_ =	sdelay $0x3  }
0x1c0: {  	v0 =	vmul.f32 v59, v52;
	v6 =	vadd.s32 v31, v62  }
0x1c1: {  	v4 =	vld.idx.msk [tilespmem:v47+s17+$0x0], $0xffff  }
0x1c2: {  	v8 =	vld.idx.msk [tilespmem:v51+s16+$0x0], $0xffff;
	[tilespmem:v56+s19+$0x0] =	vst.idx.msk $0xffff, v0;
	v14 =	vpop (erf)  }
0x1c3: {  	v61 =	vmov v62;
	v10 =	vld.idx.msk [tilespmem:v53+s17+$0x0], $0xffff;
	v0 =	vadd.s32 $0x84, v62;
	[tilespmem:v55+s19+$0x0] =	vst.idx.msk $0x1, v59;
	v28 =	vmul.f32 v14, v50;
	v62, _, _ =	vpop (xrf2)  }
0x1c4: {  	v2 =	vor.u32 v33, v3;
	v59 =	vld [tilespmem:$0x1FF60];
	v51 =	vperm.xlane v62, v9  }
0x1c5: {  	v12 =	vmul.f32 $1.442695020e+00, v58;
	v16 =	vor.u32 v33, v35;
	v52 =	vadd.s32 v13, v21;
	[tilespmem:v6+s19+$0x0] =	vst.idx.msk $0xffff, v28  }
0x1c6: {  	v47 =	vor.u32 v33, v34;
	v36 =	vld [tilespmem:$0x1FFC0];
	v28 =	vmul.f32 $2.500000000e-01, v51  }
0x1c7: {  	v44 =	vmul.u32 $0x88, v44;
	v48 =	vld.idx.msk [tilespmem:v48+s17+$0x0], $0xffff;
	(erf) = vpow2.f32 v12;
	v49 =	vmul.f32 v54, v49;
	v54 =	vpop (erf)  }
0x1c8: {  	(xrf2) =	vadd.scan.msk.f32 $0xffff, v60;
	v50 =	vld.idx.msk [tilespmem:v57+s16+$0x0], $0xffff;
	[tilespmem:v0+s19+$0x0] =	vst.idx.msk $0x1, v14;
	v0 =	vmul.f32 v54, v4;
	v28 =	vmul.f32 $1.442695020e+00, v28  }
0x1c9: {  	v40 =	vmovc v35;
	v15 =	vmovc v7;
	v12 =	vadd.s32 $0x81, v21;
	v2 =	vld.idx.msk [tilespmem:v2+s17+$0x0], $0xffff;
	v35 =	vor.u32 v59, v7;
	v7 =	vlaneseq.u32  }
0x1ca: {  	v60 =	vmov v1;
	v16 =	vld.idx.msk [tilespmem:v16+s16+$0x0], $0xffff;
	v57 =	vadd.s32 v7, v44;
	[tilespmem:v52+s19+$0x0] =	vst.idx.msk $0xffff, v0  }
0x1cb: {  	v8 =	vmul.f32 v10, v8;
	v14, _, _ =	vpop (xrf2);
	v62 =	vadd.s32 $0x80, v44;
	v6 =	vor.u32 v36, v1;
	v1 =	vld [tilespmem:$0x1FF80]  }
0x1cc: {  	(xrf2) =	vadd.scan.msk.f32 $0xffff, v49;
	v10 =	vld.idx.msk [tilespmem:v47+s17+$0x0], $0xffff;
	(erf) = vpow2.f32 v28;
	v28 =	vpop (erf)  }
0x1cd: {  	(xrf2) =	vadd.scan.msk.f32 $0xffff, v8;
	v8 =	vmul.f32 v28, v48  }
0x1ce: {  	v14 =	vperm.xlane v14, v9;
	[tilespmem:v12+s19+$0x0] =	vst.idx.msk $0x1, v54  }
0x1cf: {  	v2 =	vmul.f32 v2, v50;
	[tilespmem:v57+s19+$0x0] =	vst.idx.msk $0xffff, v8  }
0x1d0: {  	v58 =	vmov v21;
	v0 =	vmul.f32 $2.500000000e-01, v14;
	v21 =	vld.idx.msk [tilespmem:v35+s17+$0x0], $0xffff;
	v14 =	vor.u32 v1, v37;
	[tilespmem:v62+s19+$0x0] =	vst.idx.msk $0x1, v28  }
0x1d1: {  	v4 =	vor.u32 v36, v11;
	v8 =	vmul.f32 v10, v16;
	v10 =	vor.u32 v1, v38;
	v1 =	vld [tilespmem:$0x1FFE0]  }
0x1d2: {  	(xrf2) =	vadd.scan.msk.f32 $0xffff, v2;
	v2 =	vadd.s32 v33, v18;
	v54, _, _ =	vpop (xrf2);
	v0 =	vmul.f32 $1.442695020e+00, v0;
	v35 =	vor.u32 v13, v17  }
0x1d3: {  	v12 =	vor.u32 v13, v32;
	v48 =	vperm.xlane v54, v9  }
0x1d4: {  	v45 =	vmul.u32 $0x88, v45;
	(erf) = vpow2.f32 v0;
	v6 =	vld.idx.msk [tilespmem:v6+s16+$0x0], $0xffff;
	v16 =	vpop (erf)  }
0x1d5: {  	v0 =	vadd.s32 $0x85, v18;
	v48 =	vmul.f32 $2.500000000e-01, v48;
	v55 =	vmul.f32 v16, v21;
	(xrf2) =	vadd.scan.msk.f32 $0xffff, v8;
	v14 =	vld.idx.msk [tilespmem:v14+s17+$0x0], $0xffff  }
0x1d6: {  	v50 =	vadd.s32 v7, v45;
	v4 =	vld.idx.msk [tilespmem:v4+s17+$0x0], $0xffff;
	v28 =	vor.u32 v1, v27  }
0x1d7: {  	v56, _, _ =	vpop (xrf2);
	v57 =	vor.u32 v59, v20;
	v47 =	vld.idx.msk [tilespmem:v35+s16+$0x0], $0xffff;
	[tilespmem:v2+s19+$0x0] =	vst.idx.msk $0xffff, v55;
	v2 =	vmul.f32 $1.442695020e+00, v48  }
0x1d8: {  	v46 =	vmul.u32 $0x88, v46;
	v8 =	vld.idx.msk [tilespmem:v12+s17+$0x0], $0xffff;
	v48 =	vperm.xlane v56, v9;
	v12 =	vor.u32 v1, v15  }
0x1d9: {  	v62 =	vadd.s32 $0x80, v45;
	v35 =	vmov v20;
	v21 =	vpop (erf);
	v10 =	vld.idx.msk [tilespmem:v10+s17+$0x0], $0xffff;
	(erf) = vpow2.f32 v2  }
0x1da: {  	v20 =	vor.u32 v13, v24;
	[tilespmem:v0+s19+$0x0] =	vst.idx.msk $0x1, v16;
	v16 =	vmul.f32 $2.500000000e-01, v48;
	v0 =	vmul.f32 v21, v14  }
0x1db: {  	v4 =	vmul.f32 v4, v6;
	v2 =	vor.u32 v13, v37;
	v6 =	vld.idx.msk [tilespmem:v28+s16+$0x0], $0xffff;
	v28 =	vadd.s32 v7, v46  }
0x1dc: {  	v48 =	vadd.s32 $0x80, v46;
	v14, _, _ =	vpop (xrf2);
	[tilespmem:v50+s19+$0x0] =	vst.idx.msk $0xffff, v0;
	v0 =	vmul.f32 $1.442695020e+00, v16;
	v16 =	vld.idx.msk [tilespmem:v57+s17+$0x0], $0xffff  }
0x1dd: {  	v49 =	vor.u32 v13, v5;
	v8 =	vmul.f32 v8, v47;
	v57 =	vpop (erf);
	v12 =	vld.idx.msk [tilespmem:v12+s17+$0x0], $0xffff  }
0x1de: {  	v56, _, _ =	vpop (xrf2);
	[tilespmem:v62+s19+$0x0] =	vst.idx.msk $0x1, v21;
	v10 =	vmul.f32 v57, v10;
	v62 =	vor.u32 v13, v38  }
0x1df: {  	(xrf2) =	vadd.scan.msk.f32 $0xffff, v4;
	v47 =	vperm.xlane v56, v9;
	v56 =	vor.u32 v59, v42;
	v4, _, _ =	vpop (xrf2);
	v52 =	vld.idx.msk [tilespmem:v20+s16+$0x0], $0xffff;
	(erf) = vpow2.f32 v0  }
0x1e0: {  	v0 =	vld.idx.msk [tilespmem:v2+s17+$0x0], $0xffff;
	v4 =	vperm.xlane v4, v9;
	[tilespmem:v28+s19+$0x0] =	vst.idx.msk $0xffff, v10  }
0x1e1: {  	(xrf2) =	vadd.scan.msk.f32 $0xffff, v8;
	v8 =	vadd.s32 v33, v26;
	v2 =	vmul.f32 $2.500000000e-01, v47;
	[tilespmem:v48+s19+$0x0] =	vst.idx.msk $0x1, v57  }
0x1e2: {  	v4 =	vmul.f32 $2.500000000e-01, v4;
	v6 =	vmul.f32 v12, v6;
	v12 =	vadd.s32 $0x85, v26;
	v10 =	vld.idx.msk [tilespmem:v49+s16+$0x0], $0xffff  }
0x1e3: {  	v14 =	vperm.xlane v14, v9;
	v2 =	vmul.f32 $1.442695020e+00, v2;
	v28 =	vpop (erf);
	v57 =	vld.idx.msk [tilespmem:v62+s17+$0x0], $0xffff  }
0x1e4: {  	v23 =	vmovc v3;
	v54 =	vor.u32 v1, v41;
	v4 =	vmul.f32 $1.442695020e+00, v4;
	v16 =	vmul.f32 v28, v16;
	v62 =	vld.idx.msk [tilespmem:v56+s17+$0x0], $0xffff  }
0x1e5: {  	v21 =	vor.u32 v59, v23;
	(erf) = vpow2.f32 v2;
	v0 =	vmul.f32 v0, v52  }
0x1e6: {  	v2 =	vmul.f32 $2.500000000e-01, v14;
	v14 =	vadd.s32 v33, v19;
	(xrf2) =	vadd.scan.msk.f32 $0xffff, v6;
	[tilespmem:v8+s19+$0x0] =	vst.idx.msk $0xffff, v16  }
0x1e7: {  	v55 =	vadd.s32 $0x85, v19;
	v6 =	vor.u32 v1, v35;
	(xrf2) =	vadd.scan.msk.f32 $0xffff, v0;
	[tilespmem:v12+s19+$0x0] =	vst.idx.msk $0x1, v28  }
0x1e8: {  	(erf) = vpow2.f32 v4;
	v8 =	vor.u32 v1, v43;
	v4 =	vpop (erf);
	v7 =	vld [tilespmem:$0x1FF70]  }
0x1e9: {  	v56 =	vor.u32 v1, v42;
	v10 =	vmul.f32 v57, v10;
	v28 =	vmul.f32 v4, v62  }
0x1ea: {  	v2 =	vmul.f32 $1.442695020e+00, v2;
	v0 =	vor.u32 v59, v34;
	v16, _, _ =	vpop (xrf2);
	v12 =	vld.idx.msk [tilespmem:v21+s17+$0x0], $0xffff  }
0x1eb: {  	v53 =	vor.u32 v1, v23;
	v50 =	vld.idx.msk [tilespmem:v54+s16+$0x0], $0xffff;
	v62, _, _ =	vpop (xrf2);
	(xrf2) =	vadd.scan.msk.f32 $0xffff, v10;
	[tilespmem:v14+s19+$0x0] =	vst.idx.msk $0xffff, v28  }
0x1ec: {  	(erf) = vpow2.f32 v2;
	v2 =	vld.idx.msk [tilespmem:v6+s17+$0x0], $0xffff;
	v10 =	vperm.xlane v62, v9;
	[tilespmem:v55+s19+$0x0] =	vst.idx.msk $0x1, v4  }
0x1ed: {  	v52 =	vadd.s32 v33, v61;
	v4 =	vperm.xlane v16, v9;
	v57 =	vor.u32 v7, v30;
	v8 =	vld.idx.msk [tilespmem:v8+s16+$0x0], $0xffff  }
0x1ee: {  	v49 =	vor.u32 v1, v63;
	v6 =	vadd.s32 v33, v29;
	v62 =	vmovc v32;
	v10 =	vmul.f32 $2.500000000e-01, v10;
	v47 =	vld.idx.msk [tilespmem:v56+s17+$0x0], $0xffff  }
0x1ef: {  	v0 =	vld.idx.msk [tilespmem:v0+s17+$0x0], $0xffff;
	v32 =	vmov v30;
	v51 =	vpop (erf);
	v16 =	vadd.s32 $0x85, v29;
	v4 =	vmul.f32 $2.500000000e-01, v4  }
0x1f0: {  	v28 =	vadd.s32 v13, v39;
	v12 =	vmul.f32 v51, v12;
	v30 =	vld [tilespmem:$0x1FF90];
	v54, _, _ =	vpop (xrf2);
	v10 =	vmul.f32 $1.442695020e+00, v10  }
0x1f1: {  	v55 =	vor.u32 v7, v62;
	v2 =	vmul.f32 v2, v50;
	v21, _, _ =	vpop (xrf2);
	v4 =	vmul.f32 $1.442695020e+00, v4  }
0x1f2: {  	v56 =	vadd.s32 $0x85, v61;
	(erf) = vpow2.f32 v10;
	v10 =	vperm.xlane v21, v9;
	v48 =	vld.idx.msk [tilespmem:v57+s17+$0x0], $0xffff  }
0x1f3: {  	v50 =	vor.u32 v1, v40;
	[tilespmem:v6+s19+$0x0] =	vst.idx.msk $0xffff, v12;
	v57 =	vpop (erf);
	v6 =	vmul.f32 v47, v8  }
0x1f4: {  	[tilespmem:v16+s19+$0x0] =	vst.idx.msk $0x1, v51;
	v8 =	vor.u32 v1, v34;
	v0 =	vmul.f32 v57, v0;
	v10 =	vmul.f32 $2.500000000e-01, v10  }
0x1f5: {  	v12 =	vadd.s32 $0x81, v39;
	v14 =	vor.u32 v30, v11;
	(erf) = vpow2.f32 v4;
	v47 =	vld.idx.msk [tilespmem:v49+s16+$0x0], $0xffff;
	v4, _, _ =	vpop (xrf2)  }
0x1f6: {  	(xrf2) =	vadd.scan.msk.f32 $0xffff, v2;
	v49 =	vld.idx.msk [tilespmem:v53+s17+$0x0], $0xffff;
	v2 =	vpop (erf);
	[tilespmem:v52+s19+$0x0] =	vst.idx.msk $0xffff, v0;
	v0 =	vperm.xlane v4, v9;
	v4 =	vmul.f32 $1.442695020e+00, v10  }
0x1f7: {  	v16 =	vperm.xlane v54, v9;
	v51 =	vld.idx.msk [tilespmem:v55+s17+$0x0], $0xffff;
	[tilespmem:v56+s19+$0x0] =	vst.idx.msk $0x1, v57;
	v48 =	vmul.f32 v2, v48  }
0x1f8: {  	v22 =	vmov v34;
	v34 =	vor.u32 v7, v37;
	v50 =	vld.idx.msk [tilespmem:v50+s16+$0x0], $0xffff;
	(erf) = vpow2.f32 v4  }
0x1f9: {  	v16 =	vmul.f32 $2.500000000e-01, v16;
	v8 =	vld.idx.msk [tilespmem:v8+s17+$0x0], $0xffff;
	[tilespmem:v28+s19+$0x0] =	vst.idx.msk $0xffff, v48  }
0x1fa: {  	v10 =	vor.u32 v36, v25;
	v14 =	vld.idx.msk [tilespmem:v14+s17+$0x0], $0xffff;
	v0 =	vmul.f32 $2.500000000e-01, v0;
	[tilespmem:v12+s19+$0x0] =	vst.idx.msk $0x1, v2  }
0x1fb: {  	(xrf2) =	vadd.scan.msk.f32 $0xffff, v6;
	v6 =	vmul.f32 $1.442695020e+00, v16;
	v16 =	vadd.s32 v36, v58;
	v55 =	vld [tilespmem:$0x1FF50]  }
0x1fc: {  	v28 =	vmul.f32 v49, v47;
	v0 =	vmul.f32 $1.442695020e+00, v0;
	v2 =	vadd.s32 v13, v44;
	v47 =	vpop (erf)  }
0x1fd: {  	v4 =	vor.u32 v36, v32;
	(erf) = vpow2.f32 v6;
	v48 =	vld.idx.msk [tilespmem:v34+s17+$0x0], $0xffff;
	v57 =	vmul.f32 v47, v51  }
0x1fe: {  	v12 =	vor.u32 v7, v38;
	(erf) = vpow2.f32 v0  }
0x1ff: {  	v6 =	vld.idx.msk [tilespmem:v10+s16+$0x0], $0xffff;
	v10 =	vadd.s32 $0x81, v44;
	v8 =	vmul.f32 v8, v50;
	v50 =	vpop (erf)  }
0x200: {  	v3 =	vmovc v11;
	v11 =	vmovc v15;
	v52 =	vadd.s32 $0x82, v58;
	v14 =	vmul.f32 v50, v14;
	v0 =	vor.u32 v55, v15;
	v15 =	vld [tilespmem:$0x1FFF0]  }
0x201: {  	v53 =	vadd.s32 v13, v45;
	v56 =	vadd.s32 $0x81, v45;
	[tilespmem:v2+s19+$0x0] =	vst.idx.msk $0xffff, v57;
	v57 =	vpop (erf)  }
0x202: {  	v51 =	vor.u32 v36, v17;
	v4 =	vld.idx.msk [tilespmem:v4+s17+$0x0], $0xffff;
	[tilespmem:v16+s19+$0x0] =	vst.idx.msk $0xffff, v14;
	v14 =	vmul.f32 v57, v48  }
0x203: {  	(xrf2) =	vadd.scan.msk.f32 $0xffff, v28;
	v28 =	vor.u32 v36, v62;
	v12 =	vld.idx.msk [tilespmem:v12+s17+$0x0], $0xffff  }
0x204: {  	v2, _, _ =	vpop (xrf2);
	(xrf2) =	vadd.scan.msk.f32 $0xffff, v8;
	v8 =	vor.u32 v36, v24;
	[tilespmem:v10+s19+$0x0] =	vst.idx.msk $0x1, v47  }
0x205: {  	v16, _, _ =	vpop (xrf2);
	[tilespmem:v52+s19+$0x0] =	vst.idx.msk $0x1, v50;
	v50 =	vadd.s32 v13, v46;
	v34 =	vor.u32 v15, v60  }
0x206: {  	v2 =	vperm.xlane v2, v9;
	[tilespmem:v53+s19+$0x0] =	vst.idx.msk $0xffff, v14;
	v10 =	vor.u32 v15, v3;
	v14 =	vpop (erf)  }
0x207: {  	v48 =	vld.idx.msk [tilespmem:v51+s16+$0x0], $0xffff;
	v4 =	vmul.f32 v4, v6;
	v16 =	vperm.xlane v16, v9;
	[tilespmem:v56+s19+$0x0] =	vst.idx.msk $0x1, v57;
	v56 =	vpop (erf)  }
0x208: {  	v51 =	vor.u32 v36, v37;
	v6 =	vld.idx.msk [tilespmem:v28+s17+$0x0], $0xffff;
	v2 =	vmul.f32 $2.500000000e-01, v2;
	v12 =	vmul.f32 v56, v12  }
0x209: {  	v28 =	vadd.s32 $0x81, v46;
	(xrf2) =	vadd.scan.msk.f32 $0xffff, v4;
	v4 =	vld.idx.msk [tilespmem:v8+s16+$0x0], $0xffff  }
0x20a: {  	v2 =	vmul.f32 $1.442695020e+00, v2;
	v8 =	vor.u32 v55, v35;
	v52 =	vld.idx.msk [tilespmem:v34+s16+$0x0], $0xffff;
	[tilespmem:v50+s19+$0x0] =	vst.idx.msk $0xffff, v12;
	v12 =	vmul.f32 $2.500000000e-01, v16  }
0x20b: {  	v10 =	vld.idx.msk [tilespmem:v10+s17+$0x0], $0xffff  }
0x20c: {  	(erf) = vpow2.f32 v2;
	v34 =	vor.u32 v36, v5  }
0x20d: {  	v16 =	vld.idx.msk [tilespmem:v51+s17+$0x0], $0xffff  }
0x20e: {  	v57 =	vor.u32 v36, v38;
	v0 =	vld.idx.msk [tilespmem:v0+s17+$0x0], $0xffff;
	v2 =	vmul.f32 v6, v48;
	v6 =	vmul.f32 $1.442695020e+00, v12;
	v12, _, _ =	vpop (xrf2)  }
0x20f: {  	[tilespmem:v28+s19+$0x0] =	vst.idx.msk $0x1, v56;
	v8 =	vld.idx.msk [tilespmem:v8+s17+$0x0], $0xffff;
	v12 =	vperm.xlane v12, v9  }
0x210: {  	(xrf2) =	vadd.scan.msk.f32 $0xffff, v2;
	(erf) = vpow2.f32 v6;
	v6 =	vmul.f32 v10, v52;
	v10 =	vor.u32 v55, v42;
	v52 =	vld [tilespmem:$0x1FFD0]  }
0x211: {  	v47 =	vadd.s32 v1, v18;
	v28 =	vld.idx.msk [tilespmem:v34+s16+$0x0], $0xffff;
	v34, _, _ =	vpop (xrf2);
	v12 =	vmul.f32 $2.500000000e-01, v12  }
0x212: {  	v4 =	vmul.f32 v16, v4;
	v48 =	vperm.xlane v34, v9  }
0x213: {  	v21 =	vmovc v25;
	v25 =	vmov v7;
	v7 =	vadd.s32 $0x86, v18;
	v2 =	vld.idx.msk [tilespmem:v57+s17+$0x0], $0xffff;
	(xrf2) =	vadd.scan.msk.f32 $0xffff, v6;
	v6 =	vmul.f32 $1.442695020e+00, v12  }
0x214: {  	v0 =	vmul.f32 v14, v0;
	(xrf2) =	vadd.scan.msk.f32 $0xffff, v4;
	v4 =	vmul.f32 $2.500000000e-01, v48;
	v12 =	vadd.s32 v1, v26  }
0x215: {  	v16 =	vor.u32 v52, v27;
	(erf) = vpow2.f32 v6;
	v6 =	vld.idx.msk [tilespmem:v10+s17+$0x0], $0xffff;
	v10 =	vor.u32 v52, v41;
	v41 =	vpop (erf)  }
0x216: {  	[tilespmem:v47+s19+$0x0] =	vst.idx.msk $0xffff, v0;
	v0 =	vadd.s32 $0x86, v26;
	v57, _, _ =	vpop (xrf2);
	v8 =	vmul.f32 v41, v8  }
0x217: {  	v54 =	vperm.xlane v57, v9;
	v4 =	vmul.f32 $1.442695020e+00, v4  }
0x218: {  	v2 =	vmul.f32 v2, v28  }
0x219: {  	v56 =	vor.u32 v55, v23;
	[tilespmem:v7+s19+$0x0] =	vst.idx.msk $0x1, v14;
	(erf) = vpow2.f32 v4;
	v4 =	vmul.f32 $2.500000000e-01, v54  }
0x21a: {  	v28 =	vor.u32 v52, v11;
	(xrf2) =	vadd.scan.msk.f32 $0xffff, v2;
	[tilespmem:v12+s19+$0x0] =	vst.idx.msk $0xffff, v8;
	v14 =	vld.idx.msk [tilespmem:v16+s16+$0x0], $0xffff;
	v8, _, _ =	vpop (xrf2)  }
0x21b: {  	v16 =	vadd.s32 v1, v19;
	[tilespmem:v0+s19+$0x0] =	vst.idx.msk $0x1, v41;
	v0 =	vmul.f32 $1.442695020e+00, v4;
	v4 =	vperm.xlane v8, v9  }
0x21c: {  	v2 =	vor.u32 v55, v22  }
0x21d: {  	v12 =	vpop (erf)  }
0x21e: {  	v20 =	vmovc v42;
	v56 =	vld.idx.msk [tilespmem:v56+s17+$0x0], $0xffff;
	v7 =	vmov v3;
	v57 =	vadd.s32 $0x86, v19;
	v6 =	vmul.f32 v12, v6  }
0x21f: {  	v3 =	vadd.s32 v1, v61;
	v28 =	vld.idx.msk [tilespmem:v28+s17+$0x0], $0xffff;
	(erf) = vpow2.f32 v0;
	v0 =	vmul.f32 $2.500000000e-01, v4;
	v4, _, _ =	vpop (xrf2)  }
0x220: {  	v27 =	vmov v11;
	v11 =	vor.u32 v52, v35;
	v8 =	vor.u32 v52, v43;
	[tilespmem:v16+s19+$0x0] =	vst.idx.msk $0xffff, v6;
	v16, _, _ =	vpop (xrf2)  }
0x221: {  	v53 =	vmovc v35;
	v2 =	vld.idx.msk [tilespmem:v2+s17+$0x0], $0xffff;
	v43 =	vor.u32 v30, v32;
	v0 =	vmul.f32 $1.442695020e+00, v0;
	v16 =	vperm.xlane v16, v9  }
0x222: {  	v49 =	vor.u32 v52, v42;
	v42 =	vmovc v17;
	v17 =	vor.u32 v52, v40;
	v41 =	vadd.s32 v1, v29  }
0x223: {  	v54 =	vadd.s32 $0x86, v29;
	[tilespmem:v57+s19+$0x0] =	vst.idx.msk $0x1, v12;
	v12 =	vpop (erf);
	(erf) = vpow2.f32 v0;
	v0 =	vmul.f32 $2.500000000e-01, v16  }
0x224: {  	v10 =	vld.idx.msk [tilespmem:v10+s16+$0x0], $0xffff;
	v6 =	vor.u32 v52, v63;
	v14 =	vmul.f32 v28, v14;
	v28 =	vor.u32 v30, v62;
	v63 =	vpop (erf)  }
0x225: {  	v57 =	vadd.s32 $0x86, v61;
	v47 =	vmul.f32 v12, v56;
	v8 =	vld.idx.msk [tilespmem:v8+s16+$0x0], $0xffff;
	v16, _, _ =	vpop (xrf2);
	v0 =	vmul.f32 $1.442695020e+00, v0  }
0x226: {  	v56 =	vor.u32 v52, v23;
	v35 =	vld.idx.msk [tilespmem:v43+s17+$0x0], $0xffff;
	v2 =	vmul.f32 v63, v2;
	v16 =	vperm.xlane v16, v9  }
0x227: {  	[tilespmem:v41+s19+$0x0] =	vst.idx.msk $0xffff, v47;
	v41 =	vld.idx.msk [tilespmem:v49+s17+$0x0], $0xffff;
	(erf) = vpow2.f32 v0;
	v0 =	vor.u32 v30, v37  }
0x228: {  	v11 =	vld.idx.msk [tilespmem:v11+s17+$0x0], $0xffff;
	[tilespmem:v54+s19+$0x0] =	vst.idx.msk $0x1, v12;
	v12 =	vadd.s32 v36, v39;
	v16 =	vmul.f32 $2.500000000e-01, v16  }
0x229: {  	v43 =	vor.u32 v52, v22;
	v54 =	vadd.s32 $0x82, v39;
	[tilespmem:v3+s19+$0x0] =	vst.idx.msk $0xffff, v2;
	v28 =	vld.idx.msk [tilespmem:v28+s17+$0x0], $0xffff  }
0x22a: {  	v3 =	vor.u32 v15, v21;
	v6 =	vld.idx.msk [tilespmem:v6+s16+$0x0], $0xffff;
	[tilespmem:v57+s19+$0x0] =	vst.idx.msk $0x1, v63;
	v2 =	vpop (erf);
	v16 =	vmul.f32 $1.442695020e+00, v16  }
0x22b: {  	v57 =	vadd.s32 v36, v44;
	v48 =	vld.idx.msk [tilespmem:v56+s17+$0x0], $0xffff;
	v56 =	vor.u32 v15, v32;
	v35 =	vmul.f32 v2, v35  }
0x22c: {  	(xrf2) =	vadd.scan.msk.f32 $0xffff, v14;
	v8 =	vmul.f32 v41, v8;
	(erf) = vpow2.f32 v16;
	v16 =	vor.u32 v30, v38;
	v0 =	vld.idx.msk [tilespmem:v0+s17+$0x0], $0xffff  }
0x22d: {  	v10 =	vmul.f32 v11, v10;
	v17 =	vld.idx.msk [tilespmem:v17+s16+$0x0], $0xffff;
	[tilespmem:v12+s19+$0x0] =	vst.idx.msk $0xffff, v35;
	v12 =	vadd.s32 $0x82, v44  }
0x22e: {  	v14 =	vld.idx.msk [tilespmem:v43+s17+$0x0], $0xffff;
	[tilespmem:v54+s19+$0x0] =	vst.idx.msk $0x1, v2;
	v63 =	vpop (erf)  }
0x22f: {  	(xrf2) =	vadd.scan.msk.f32 $0xffff, v10;
	v2 =	vor.u32 v15, v42;
	v10 =	vld.idx.msk [tilespmem:v3+s16+$0x0], $0xffff;
	v28 =	vmul.f32 v63, v28  }
0x230: {  	v11 =	vadd.s32 v36, v45;
	(xrf2) =	vadd.scan.msk.f32 $0xffff, v8;
	v3 =	vor.u32 v15, v62;
	v34 =	vld.idx.msk [tilespmem:v56+s17+$0x0], $0xffff;
	v8 =	vpop (erf)  }
0x231: {  	[tilespmem:v57+s19+$0x0] =	vst.idx.msk $0xffff, v28;
	v28 =	vadd.s32 $0x82, v45;
	v16 =	vld.idx.msk [tilespmem:v16+s17+$0x0], $0xffff;
	v0 =	vmul.f32 v8, v0  }
0x232: {  	v6 =	vmul.f32 v48, v6;
	[tilespmem:v12+s19+$0x0] =	vst.idx.msk $0x1, v63;
	v12 =	vor.u32 v15, v24  }
0x233: {  	v40 =	vadd.s32 v36, v46  }
0x234: {  	(xrf2) =	vadd.scan.msk.f32 $0xffff, v6;
	v6 =	vmul.f32 v14, v17;
	v17 =	vadd.s32 $0x82, v46;
	v2 =	vld.idx.msk [tilespmem:v2+s16+$0x0], $0xffff  }
0x235: {  	v4 =	vperm.xlane v4, v9;
	v14 =	vld.idx.msk [tilespmem:v3+s17+$0x0], $0xffff;
	v10 =	vmul.f32 v34, v10;
	[tilespmem:v11+s19+$0x0] =	vst.idx.msk $0xffff, v0;
	v0 =	vpop (erf)  }
0x236: {  	v41 =	vor.u32 v15, v37;
	(xrf2) =	vadd.scan.msk.f32 $0xffff, v6;
	[tilespmem:v28+s19+$0x0] =	vst.idx.msk $0x1, v8;
	v6 =	vmul.f32 v0, v16;
	v16, _, _ =	vpop (xrf2)  }
0x237: {  	(xrf2) =	vadd.scan.msk.f32 $0xffff, v10;
	v10 =	vld.idx.msk [tilespmem:v12+s16+$0x0], $0xffff;
	v12 =	vperm.xlane v16, v9  }
0x238: {  	v4 =	vmul.f32 $2.500000000e-01, v4;
	v8 =	vor.u32 v15, v38;
	[tilespmem:v40+s19+$0x0] =	vst.idx.msk $0xffff, v6  }
0x239: {  	v3 =	vor.u32 v15, v5;
	[tilespmem:v17+s19+$0x0] =	vst.idx.msk $0x1, v0;
	v0 =	vmul.f32 $2.500000000e-01, v12  }
0x23a: {  	v4 =	vmul.f32 $1.442695020e+00, v4;
	v2 =	vmul.f32 v14, v2;
	v16, _, _ =	vpop (xrf2)  }
0x23b: {  	v6 =	vld.idx.msk [tilespmem:v41+s17+$0x0], $0xffff;
	v12 =	vperm.xlane v16, v9;
	v0 =	vmul.f32 $1.442695020e+00, v0;
	_ =	sdelay $0x1  }
0x23c: {  	(erf) = vpow2.f32 v4;
	(xrf2) =	vadd.scan.msk.f32 $0xffff, v2;
	v2 =	vld.idx.msk [tilespmem:v8+s17+$0x0], $0xffff;
	v8, _, _ =	vpop (xrf2);
	v4 =	vmul.f32 $2.500000000e-01, v12  }
0x23d: {  	v14 =	vld.idx.msk [tilespmem:v3+s16+$0x0], $0xffff;
	v8 =	vperm.xlane v8, v9  }
0x23e: {  	v50 =	vld [tilespmem:$0x1FF40];
	v4 =	vmul.f32 $1.442695020e+00, v4;
	(erf) = vpow2.f32 v0;
	v0, _, _ =	vpop (xrf2)  }
0x23f: {  	v6 =	vmul.f32 v6, v10;
	v0 =	vperm.xlane v0, v9;
	_ =	sdelay $0x1  }
0x240: {  	v8 =	vmul.f32 $2.500000000e-01, v8;
	(xrf2) =	vadd.scan.msk.f32 $0xffff, v6;
	v0 =	vmul.f32 $2.500000000e-01, v0  }
0x241: {  	(erf) = vpow2.f32 v4;
	v2 =	vmul.f32 v2, v14;
	v4, _, _ =	vpop (xrf2)  }
0x242: {  	v6 =	vor.u32 v50, v7;
	v4 =	vperm.xlane v4, v9;
	v10, _, _ =	vpop (xrf2);
	v0 =	vmul.f32 $1.442695020e+00, v0  }
0x243: {  	v8 =	vmul.f32 $1.442695020e+00, v8;
	v10 =	vperm.xlane v10, v9  }
0x244: {  	(xrf2) =	vadd.scan.msk.f32 $0xffff, v2;
	v2 =	vmul.f32 $2.500000000e-01, v4  }
0x245: {  	(erf) = vpow2.f32 v8;
	v4 =	vmul.f32 $2.500000000e-01, v10  }
0x246: {  	v2 =	vmul.f32 $1.442695020e+00, v2;
	(erf) = vpow2.f32 v0;
	v0, _, _ =	vpop (xrf2)  }
0x247: {  	v6 =	vld.idx.msk [tilespmem:v6+s17+$0x0], $0xffff;
	v4 =	vmul.f32 $1.442695020e+00, v4;
	v0 =	vperm.xlane v0, v9  }
0x248: {  	v8 =	vadd.s32 v15, v58;
	(erf) = vpow2.f32 v2  }
0x249: {  	v2 =	vor.u32 v50, v32;
	(erf) = vpow2.f32 v4;
	v0 =	vmul.f32 $2.500000000e-01, v0  }
0x24a: {  	v4 =	vadd.s32 $0x83, v58;
	v10, _, _ =	vpop (xrf2)  }
0x24b: {  	v12 =	vpop (erf);
	v14 =	vor.u32 v31, v60;
	v10 =	vperm.xlane v10, v9;
	v0 =	vmul.f32 $1.442695020e+00, v0  }
0x24c: {  	v16 =	vor.u32 v31, v7;
	v11 =	vpop (erf);
	v6 =	vmul.f32 v12, v6  }
0x24d: {  	v28 =	vor.u32 v50, v62;
	v35 =	vpop (erf);
	(erf) = vpow2.f32 v0;
	v0 =	vmul.f32 $2.500000000e-01, v10  }
0x24e: {  	v34 =	vpop (erf);
	[tilespmem:v8+s19+$0x0] =	vst.idx.msk $0xffff, v6;
	v2 =	vld.idx.msk [tilespmem:v2+s17+$0x0], $0xffff  }
0x24f: {  	[tilespmem:v4+s19+$0x0] =	vst.idx.msk $0x1, v12;
	v10, _, _ =	vpop (xrf2);
	v0 =	vmul.f32 $1.442695020e+00, v0  }
0x250: {  	v8 =	vadd.s32 v15, v39;
	v4 =	vld.idx.msk [tilespmem:v14+s16+$0x0], $0xffff;
	v3 =	vpop (erf);
	v6 =	vperm.xlane v10, v9  }
0x251: {  	v14 =	vor.u32 v50, v37;
	v10 =	vld.idx.msk [tilespmem:v16+s17+$0x0], $0xffff;
	v17 =	vpop (erf);
	(erf) = vpow2.f32 v0  }
0x252: {  	v28 =	vld.idx.msk [tilespmem:v28+s17+$0x0], $0xffff;
	v12 =	vadd.s32 $0x83, v39;
	v6 =	vmul.f32 $2.500000000e-01, v6;
	v16 =	vpop (erf)  }
0x253: {  	v2 =	vmul.f32 v16, v2  }
0x254: {  	v43 =	vor.u32 v31, v32;
	v54 =	vadd.s32 v15, v44;
	v6 =	vmul.f32 $1.442695020e+00, v6  }
0x255: {  	v0 =	vor.u32 v31, v21;
	[tilespmem:v8+s19+$0x0] =	vst.idx.msk $0xffff, v2;
	v2 =	vadd.s32 $0x83, v44  }
0x256: {  	v56 =	vor.u32 v50, v38;
	v4 =	vmul.f32 v10, v4;
	v10 =	vld.idx.msk [tilespmem:v14+s17+$0x0], $0xffff;
	(erf) = vpow2.f32 v6;
	v8 =	vpop (erf)  }
0x257: {  	[tilespmem:v12+s19+$0x0] =	vst.idx.msk $0x1, v16;
	v12 =	vmul.f32 v8, v28  }
0x258: {  	v6 =	vor.u32 v31, v42;
	(xrf2) =	vadd.scan.msk.f32 $0xffff, v4  }
0x259: {  	v14 =	vor.u32 v31, v62;
	v4 =	vld.idx.msk [tilespmem:v43+s17+$0x0], $0xffff;
	[tilespmem:v54+s19+$0x0] =	vst.idx.msk $0xffff, v12  }
0x25a: {  	v16 =	vadd.s32 v15, v45;
	v0 =	vld.idx.msk [tilespmem:v0+s16+$0x0], $0xffff;
	[tilespmem:v2+s19+$0x0] =	vst.idx.msk $0x1, v8;
	v8 =	vpop (erf)  }
0x25b: {  	v28 =	vadd.s32 $0x83, v45;
	v12 =	vld.idx.msk [tilespmem:v56+s17+$0x0], $0xffff;
	v10 =	vmul.f32 v8, v10  }
0x25c: {  	v2 =	vor.u32 v31, v24  }
0x25d: {  	v57 =	vadd.s32 v15, v46;
	v63 =	vor.u32 v31, v37;
	v6 =	vld.idx.msk [tilespmem:v6+s16+$0x0], $0xffff  }
0x25e: {  	v40 =	vadd.s32 $0x83, v46;
	v14 =	vld.idx.msk [tilespmem:v14+s17+$0x0], $0xffff  }
0x25f: {  	v0 =	vmul.f32 v4, v0;
	v4 =	vor.u32 v31, v5;
	[tilespmem:v16+s19+$0x0] =	vst.idx.msk $0xffff, v10;
	v10 =	vpop (erf)  }
0x260: {  	v16 =	vor.u32 v31, v38;
	[tilespmem:v28+s19+$0x0] =	vst.idx.msk $0x1, v8;
	v12 =	vmul.f32 v10, v12  }
0x261: {  	(xrf2) =	vadd.scan.msk.f32 $0xffff, v0;
	v0 =	vld.idx.msk [tilespmem:v2+s16+$0x0], $0xffff  }
0x262: {  	v2 =	vld.idx.msk [tilespmem:v63+s17+$0x0], $0xffff;
	v8, _, _ =	vpop (xrf2);
	[tilespmem:v57+s19+$0x0] =	vst.idx.msk $0xffff, v12  }
0x263: {  	v6 =	vmul.f32 v14, v6;
	v8 =	vperm.xlane v8, v9;
	[tilespmem:v40+s19+$0x0] =	vst.idx.msk $0x1, v10  }
0x264: {  	v4 =	vld.idx.msk [tilespmem:v4+s16+$0x0], $0xffff  }
0x265: {  	(xrf2) =	vadd.scan.msk.f32 $0xffff, v6;
	v8 =	vmul.f32 $2.500000000e-01, v8;
	v6 =	vld.idx.msk [tilespmem:v16+s17+$0x0], $0xffff  }
0x266: {  	v63 =	vld [tilespmem:$0x1FFB0]  }
0x267: {  	v0 =	vmul.f32 v2, v0;
	v2 =	vmul.f32 $1.442695020e+00, v8;
	_ =	sdelay $0x1  }
0x268: {  	(xrf2) =	vadd.scan.msk.f32 $0xffff, v0;
	_ =	sdelay $0x1  }
0x269: {  	(erf) = vpow2.f32 v2;
	v2, _, _ =	vpop (xrf2);
	v0 =	vmul.f32 v6, v4;
	v4 =	vor.u32 v63, v7  }
0x26a: {  	v2 =	vperm.xlane v2, v9;
	_ =	sdelay $0x1  }
0x26b: {  	(xrf2) =	vadd.scan.msk.f32 $0xffff, v0  }
0x26c: {  	v0 =	vmul.f32 $2.500000000e-01, v2  }
0x26d: {  	v2, _, _ =	vpop (xrf2);
	v4 =	vld.idx.msk [tilespmem:v4+s17+$0x0], $0xffff  }
0x26e: {  	v0 =	vmul.f32 $1.442695020e+00, v0;
	v2 =	vperm.xlane v2, v9  }
0x26f: {  	v6 =	vadd.s32 v31, v58;
	v8 =	vor.u32 v63, v32  }
0x270: {  	(erf) = vpow2.f32 v0;
	v0 =	vmul.f32 $2.500000000e-01, v2;
	v2 =	vadd.s32 $0x84, v58;
	v10, _, _ =	vpop (xrf2)  }
0x271: {  	v14 =	vor.u32 v33, v60;
	v12 =	vpop (erf);
	v10 =	vperm.xlane v10, v9  }
0x272: {  	v16 =	vor.u32 v33, v7;
	v0 =	vmul.f32 $1.442695020e+00, v0;
	v4 =	vmul.f32 v12, v4;
	_ =	sdelay $0x1  }
0x273: {  	(erf) = vpow2.f32 v0;
	v0 =	vmul.f32 $2.500000000e-01, v10;
	[tilespmem:v6+s19+$0x0] =	vst.idx.msk $0xffff, v4  }
0x274: {  	v28 =	vor.u32 v63, v62;
	v10, _, _ =	vpop (xrf2);
	v4 =	vld.idx.msk [tilespmem:v8+s17+$0x0], $0xffff;
	[tilespmem:v2+s19+$0x0] =	vst.idx.msk $0x1, v12  }
0x275: {  	v6 =	vperm.xlane v10, v9;
	v0 =	vmul.f32 $1.442695020e+00, v0;
	v2 =	vld.idx.msk [tilespmem:v14+s16+$0x0], $0xffff  }
0x276: {  	v10 =	vld.idx.msk [tilespmem:v16+s17+$0x0], $0xffff  }
0x277: {  	v8 =	vadd.s32 v31, v39;
	v6 =	vmul.f32 $2.500000000e-01, v6  }
0x278: {  	v12 =	vadd.s32 $0x84, v39;
	v14 =	vor.u32 v63, v37;
	(erf) = vpow2.f32 v0  }
0x279: {  	v16 =	vld.idx.msk [tilespmem:v28+s17+$0x0], $0xffff;
	v28 =	vor.u32 v33, v21;
	v0 =	vpop (erf);
	v6 =	vmul.f32 $1.442695020e+00, v6  }
0x27a: {  	v41 =	vor.u32 v33, v32;
	v4 =	vmul.f32 v0, v4  }
0x27b: {  	v43 =	vadd.s32 v31, v44;
	v2 =	vmul.f32 v10, v2  }
0x27c: {  	[tilespmem:v8+s19+$0x0] =	vst.idx.msk $0xffff, v4;
	v4 =	vadd.s32 $0x84, v44  }
0x27d: {  	v54 =	vor.u32 v63, v38;
	(erf) = vpow2.f32 v6;
	v8 =	vld.idx.msk [tilespmem:v14+s17+$0x0], $0xffff;
	[tilespmem:v12+s19+$0x0] =	vst.idx.msk $0x1, v0;
	v6 =	vpop (erf);
	(xrf2) =	vadd.scan.msk.f32 $0xffff, v2  }
0x27e: {  	v0 =	vor.u32 v33, v42;
	v10 =	vld.idx.msk [tilespmem:v28+s16+$0x0], $0xffff;
	v12 =	vmul.f32 v6, v16  }
0x27f: {  	v14 =	vor.u32 v33, v62;
	v2 =	vld.idx.msk [tilespmem:v41+s17+$0x0], $0xffff;
	v16 =	vadd.s32 v31, v45  }
0x280: {  	v28 =	vadd.s32 $0x84, v45;
	[tilespmem:v43+s19+$0x0] =	vst.idx.msk $0xffff, v12  }
0x281: {  	[tilespmem:v4+s19+$0x0] =	vst.idx.msk $0x1, v6;
	v4 =	vor.u32 v33, v24;
	v6 =	vpop (erf)  }
0x282: {  	v57 =	vor.u32 v33, v37;
	v12 =	vld.idx.msk [tilespmem:v54+s17+$0x0], $0xffff;
	v8 =	vmul.f32 v6, v8  }
0x283: {  	v0 =	vld.idx.msk [tilespmem:v0+s16+$0x0], $0xffff  }
0x284: {  	v56 =	vadd.s32 v31, v46;
	v14 =	vld.idx.msk [tilespmem:v14+s17+$0x0], $0xffff;
	v2 =	vmul.f32 v2, v10;
	[tilespmem:v16+s19+$0x0] =	vst.idx.msk $0xffff, v8  }
0x285: {  	v40 =	vadd.s32 $0x84, v46;
	[tilespmem:v28+s19+$0x0] =	vst.idx.msk $0x1, v6  }
0x286: {  	v10 =	vor.u32 v33, v5;
	(xrf2) =	vadd.scan.msk.f32 $0xffff, v2;
	v8 =	vpop (erf);
	v2 =	vld.idx.msk [tilespmem:v4+s16+$0x0], $0xffff  }
0x287: {  	v16 =	vor.u32 v33, v38;
	v4 =	vld.idx.msk [tilespmem:v57+s17+$0x0], $0xffff;
	v12 =	vmul.f32 v8, v12;
	v6, _, _ =	vpop (xrf2)  }
0x288: {  	v6 =	vperm.xlane v6, v9  }
0x289: {  	v0 =	vmul.f32 v14, v0;
	[tilespmem:v56+s19+$0x0] =	vst.idx.msk $0xffff, v12  }
0x28a: {  	[tilespmem:v40+s19+$0x0] =	vst.idx.msk $0x1, v8;
	v6 =	vmul.f32 $2.500000000e-01, v6  }
0x28b: {  	(xrf2) =	vadd.scan.msk.f32 $0xffff, v0;
	v8 =	vld.idx.msk [tilespmem:v10+s16+$0x0], $0xffff  }
0x28c: {  	v0 =	vld.idx.msk [tilespmem:v16+s17+$0x0], $0xffff;
	v2 =	vmul.f32 v4, v2;
	v4 =	vmul.f32 $1.442695020e+00, v6;
	_ =	sdelay $0x1  }
0x28d: {  	(xrf2) =	vadd.scan.msk.f32 $0xffff, v2;
	_ =	sdelay $0x1  }
0x28e: {  	(erf) = vpow2.f32 v4;
	v4, _, _ =	vpop (xrf2)  }
0x28f: {  	v0 =	vmul.f32 v0, v8;
	v4 =	vperm.xlane v4, v9;
	_ =	sdelay $0x1  }
0x290: {  	v2 =	vor.u32 v59, v7;
	(xrf2) =	vadd.scan.msk.f32 $0xffff, v0;
	v0 =	vmul.f32 $2.500000000e-01, v4;
	_ =	sdelay $0x1  }
0x291: {  	v4, _, _ =	vpop (xrf2);
	v0 =	vmul.f32 $1.442695020e+00, v0  }
0x292: {  	v4 =	vperm.xlane v4, v9  }
0x293: {  	v6 =	vor.u32 v59, v32;
	(erf) = vpow2.f32 v0  }
0x294: {  	v2 =	vld.idx.msk [tilespmem:v2+s17+$0x0], $0xffff;
	v8, _, _ =	vpop (xrf2);
	v0 =	vmul.f32 $2.500000000e-01, v4  }
0x295: {  	v8 =	vperm.xlane v8, v9  }
0x296: {  	v4 =	vadd.s32 v33, v58;
	v0 =	vmul.f32 $1.442695020e+00, v0  }
0x297: {  	v10 =	vadd.s32 $0x85, v58;
	v16 =	vor.u32 v59, v62  }
0x298: {  	v14 =	vor.u32 v1, v60;
	v6 =	vld.idx.msk [tilespmem:v6+s17+$0x0], $0xffff;
	v12 =	vpop (erf);
	(erf) = vpow2.f32 v0;
	v0 =	vmul.f32 $2.500000000e-01, v8  }
0x299: {  	v28 =	vor.u32 v1, v7;
	v2 =	vmul.f32 v12, v2;
	v8, _, _ =	vpop (xrf2)  }
0x29a: {  	v8 =	vperm.xlane v8, v9;
	v0 =	vmul.f32 $1.442695020e+00, v0  }
0x29b: {  	[tilespmem:v4+s19+$0x0] =	vst.idx.msk $0xffff, v2  }
0x29c: {  	v2 =	vadd.s32 v33, v39;
	[tilespmem:v10+s19+$0x0] =	vst.idx.msk $0x1, v12;
	v4 =	vmul.f32 $2.500000000e-01, v8;
	(erf) = vpow2.f32 v0;
	v0 =	vld.idx.msk [tilespmem:v16+s17+$0x0], $0xffff;
	v16 =	vpop (erf)  }
0x29d: {  	v10 =	vadd.s32 $0x85, v39;
	v12 =	vor.u32 v59, v37;
	v8 =	vld.idx.msk [tilespmem:v14+s16+$0x0], $0xffff;
	v6 =	vmul.f32 v16, v6  }
0x29e: {  	v14 =	vor.u32 v1, v21;
	v28 =	vld.idx.msk [tilespmem:v28+s17+$0x0], $0xffff;
	v4 =	vmul.f32 $1.442695020e+00, v4  }
0x29f: {  	v41 =	vor.u32 v1, v32;
	v43 =	vadd.s32 v33, v44  }
0x2a0: {  	v54 =	vor.u32 v59, v38;
	(erf) = vpow2.f32 v4;
	v4 =	vadd.s32 $0x85, v44  }
0x2a1: {  	[tilespmem:v2+s19+$0x0] =	vst.idx.msk $0xffff, v6;
	v2 =	vor.u32 v1, v42;
	v6 =	vpop (erf)  }
0x2a2: {  	[tilespmem:v10+s19+$0x0] =	vst.idx.msk $0x1, v16;
	v10 =	vld.idx.msk [tilespmem:v12+s17+$0x0], $0xffff;
	v12 =	vor.u32 v1, v62;
	v0 =	vmul.f32 v6, v0  }
0x2a3: {  	v8 =	vmul.f32 v28, v8;
	v14 =	vld.idx.msk [tilespmem:v14+s16+$0x0], $0xffff  }
0x2a4: {  	v28 =	vadd.s32 v33, v45;
	v16 =	vld.idx.msk [tilespmem:v41+s17+$0x0], $0xffff;
	[tilespmem:v43+s19+$0x0] =	vst.idx.msk $0xffff, v0  }
0x2a5: {  	(xrf2) =	vadd.scan.msk.f32 $0xffff, v8;
	v0 =	vld.idx.msk [tilespmem:v54+s17+$0x0], $0xffff;
	[tilespmem:v4+s19+$0x0] =	vst.idx.msk $0x1, v6  }
0x2a6: {  	v4 =	vadd.s32 $0x85, v45;
	v6 =	vpop (erf);
	v2 =	vld.idx.msk [tilespmem:v2+s16+$0x0], $0xffff  }
0x2a7: {  	v56 =	vadd.s32 v33, v46;
	v8 =	vor.u32 v1, v24;
	v10 =	vmul.f32 v6, v10;
	v12 =	vld.idx.msk [tilespmem:v12+s17+$0x0], $0xffff  }
0x2a8: {  	v57 =	vor.u32 v1, v37;
	v59 =	vadd.s32 $0x85, v46  }
0x2a9: {  	[tilespmem:v28+s19+$0x0] =	vst.idx.msk $0xffff, v10;
	v10 =	vor.u32 v1, v5;
	v28 =	vpop (erf)  }
0x2aa: {  	v14 =	vmul.f32 v16, v14;
	v16 =	vor.u32 v1, v38;
	v0 =	vmul.f32 v28, v0  }
0x2ab: {  	[tilespmem:v4+s19+$0x0] =	vst.idx.msk $0x1, v6  }
0x2ac: {  	(xrf2) =	vadd.scan.msk.f32 $0xffff, v14;
	v4 =	vld.idx.msk [tilespmem:v8+s16+$0x0], $0xffff;
	[tilespmem:v56+s19+$0x0] =	vst.idx.msk $0xffff, v0;
	v2 =	vmul.f32 v12, v2  }
0x2ad: {  	v0 =	vld.idx.msk [tilespmem:v57+s17+$0x0], $0xffff;
	[tilespmem:v59+s19+$0x0] =	vst.idx.msk $0x1, v28  }
0x2ae: {  	v6 =	vld.idx.msk [tilespmem:v10+s16+$0x0], $0xffff;
	(xrf2) =	vadd.scan.msk.f32 $0xffff, v2  }
0x2af: {  	v8, _, _ =	vpop (xrf2);
	v2 =	vld.idx.msk [tilespmem:v16+s17+$0x0], $0xffff  }
0x2b0: {  	v8 =	vperm.xlane v8, v9;
	_ =	sdelay $0x1  }
0x2b1: {  	v0 =	vmul.f32 v0, v4;
	v4 =	vmul.f32 $2.500000000e-01, v8;
	_ =	sdelay $0x1  }
0x2b2: {  	(xrf2) =	vadd.scan.msk.f32 $0xffff, v0;
	v0 =	vmul.f32 v2, v6;
	v2 =	vmul.f32 $1.442695020e+00, v4;
	_ =	sdelay $0x1  }
0x2b3: {  	v4, _, _ =	vpop (xrf2)  }
0x2b4: {  	(xrf2) =	vadd.scan.msk.f32 $0xffff, v0;
	(erf) = vpow2.f32 v2;
	v0 =	vperm.xlane v4, v9;
	v4 =	vor.u32 v55, v7  }
0x2b5: {  	v2, _, _ =	vpop (xrf2)  }
0x2b6: {  	v0 =	vmul.f32 $2.500000000e-01, v0;
	v2 =	vperm.xlane v2, v9;
	_ =	sdelay $0x1  }
0x2b7: {  	v0 =	vmul.f32 $1.442695020e+00, v0;
	v2 =	vmul.f32 $2.500000000e-01, v2  }
0x2b8: {  	v4 =	vld.idx.msk [tilespmem:v4+s17+$0x0], $0xffff  }
0x2b9: {  	v6 =	vor.u32 v55, v32;
	(erf) = vpow2.f32 v0;
	v0 =	vmul.f32 $1.442695020e+00, v2;
	_ =	sdelay $0x1  }
0x2ba: {  	v2, _, _ =	vpop (xrf2)  }
0x2bb: {  	v12 =	vpop (erf);
	v2 =	vperm.xlane v2, v9  }
0x2bc: {  	v10 =	vadd.s32 v1, v58;
	(erf) = vpow2.f32 v0;
	v4 =	vmul.f32 v12, v4;
	v0, _, _ =	vpop (xrf2)  }
0x2bd: {  	v8 =	vor.u32 v55, v62;
	v6 =	vld.idx.msk [tilespmem:v6+s17+$0x0], $0xffff;
	v2 =	vmul.f32 $2.500000000e-01, v2;
	v0 =	vperm.xlane v0, v9;
	_ =	sdelay $0x1  }
0x2be: {  	v14 =	vadd.s32 $0x86, v58;
	v2 =	vmul.f32 $1.442695020e+00, v2;
	v0 =	vmul.f32 $2.500000000e-01, v0  }
0x2bf: {  	v43 =	vor.u32 v55, v37;
	v16 =	vor.u32 v52, v60  }
0x2c0: {  	v60 =	vadd.s32 v1, v39;
	[tilespmem:v10+s19+$0x0] =	vst.idx.msk $0xffff, v4;
	v4 =	vpop (erf);
	(erf) = vpow2.f32 v2;
	v0 =	vmul.f32 $1.442695020e+00, v0  }
0x2c1: {  	v54 =	vadd.s32 $0x86, v39;
	v28 =	vor.u32 v52, v7;
	v8 =	vld.idx.msk [tilespmem:v8+s17+$0x0], $0xffff;
	v6 =	vmul.f32 v4, v6  }
0x2c2: {  	v10 =	vor.u32 v55, v38;
	(erf) = vpow2.f32 v0  }
0x2c3: {  	[tilespmem:v14+s19+$0x0] =	vst.idx.msk $0x1, v12;
	v12 =	vadd.s32 v1, v44;
	v2 =	vor.u32 v52, v21  }
0x2c4: {  	v14 =	vor.u32 v52, v32;
	v0 =	vld.idx.msk [tilespmem:v16+s16+$0x0], $0xffff;
	v16 =	vadd.s32 $0x86, v44  }
0x2c5: {  	v55 =	vld.idx.msk [tilespmem:v43+s17+$0x0], $0xffff;
	[tilespmem:v60+s19+$0x0] =	vst.idx.msk $0xffff, v6;
	v6 =	vpop (erf)  }
0x2c6: {  	v56 =	vor.u32 v52, v42;
	v28 =	vld.idx.msk [tilespmem:v28+s17+$0x0], $0xffff;
	[tilespmem:v54+s19+$0x0] =	vst.idx.msk $0x1, v4;
	v4 =	vmul.f32 v6, v8  }
0x2c7: {  	v57 =	vadd.s32 v1, v45;
	v10 =	vld.idx.msk [tilespmem:v10+s17+$0x0], $0xffff;
	v8 =	vor.u32 v52, v62  }
0x2c8: {  	v2 =	vld.idx.msk [tilespmem:v2+s16+$0x0], $0xffff;
	[tilespmem:v12+s19+$0x0] =	vst.idx.msk $0xffff, v4;
	v4 =	vadd.s32 $0x86, v45  }
0x2c9: {  	v12 =	vld.idx.msk [tilespmem:v14+s17+$0x0], $0xffff;
	[tilespmem:v16+s19+$0x0] =	vst.idx.msk $0x1, v6;
	v6 =	vor.u32 v52, v24;
	v16 =	vadd.s32 v1, v46;
	v14 =	vpop (erf)  }
0x2ca: {  	v59 =	vor.u32 v52, v37;
	v60 =	vadd.s32 $0x86, v46;
	v40 =	vmul.f32 v14, v55  }
0x2cb: {  	v21 =	vor.u32 v52, v5;
	v41 =	vld.idx.msk [tilespmem:v56+s16+$0x0], $0xffff;
	v24 =	vpop (erf)  }
0x2cc: {  	v54 =	vor.u32 v52, v38;
	v8 =	vld.idx.msk [tilespmem:v8+s17+$0x0], $0xffff;
	[tilespmem:v57+s19+$0x0] =	vst.idx.msk $0xffff, v40;
	v10 =	vmul.f32 v24, v10  }
0x2cd: {  	v0 =	vmul.f32 v28, v0;
	[tilespmem:v4+s19+$0x0] =	vst.idx.msk $0x1, v14  }
0x2ce: {  	v2 =	vmul.f32 v12, v2;
	[tilespmem:v16+s19+$0x0] =	vst.idx.msk $0xffff, v10;
	v4 =	vld.idx.msk [tilespmem:v6+s16+$0x0], $0xffff  }
0x2cf: {  	(xrf2) =	vadd.scan.msk.f32 $0xffff, v0;
	v6 =	vld.idx.msk [tilespmem:v59+s17+$0x0], $0xffff;
	[tilespmem:v60+s19+$0x0] =	vst.idx.msk $0x1, v24  }
0x2d0: {  	(xrf2) =	vadd.scan.msk.f32 $0xffff, v2;
	v2 =	vld.idx.msk [tilespmem:v21+s16+$0x0], $0xffff  }
0x2d1: {  	v0 =	vmul.f32 v8, v41;
	v8 =	vld.idx.msk [tilespmem:v54+s17+$0x0], $0xffff;
	_ =	sdelay $0x1  }
0x2d2: {  	v28 =	vld [tilespmem:$0x1FF30]  }
0x2d3: {  	(xrf2) =	vadd.scan.msk.f32 $0xffff, v0;
	v0 =	vmul.f32 v6, v4;
	_ =	sdelay $0x1  }
0x2d4: {  	(xrf2) =	vadd.scan.msk.f32 $0xffff, v0;
	v0 =	vmul.f32 v8, v2;
	_ =	sdelay $0x1  }
0x2d5: {  	v4 =	vor.u32 v28, v27;
	_ =	sdelay $0x1  }
0x2d6: {  	(xrf2) =	vadd.scan.msk.f32 $0xffff, v0;
	v0, _, _ =	vpop (xrf2)  }
0x2d7: {  	v2 =	vor.u32 v28, v53;
	v0 =	vperm.xlane v0, v9;
	_ =	sdelay $0x1  }
0x2d8: {  	v4 =	vld.idx.msk [tilespmem:v4+s17+$0x0], $0xffff;
	v6, _, _ =	vpop (xrf2);
	v0 =	vmul.f32 $2.500000000e-01, v0  }
0x2d9: {  	v10 =	vor.u32 v28, v20;
	v6 =	vperm.xlane v6, v9;
	v8, _, _ =	vpop (xrf2)  }
0x2da: {  	v8 =	vperm.xlane v8, v9;
	v0 =	vmul.f32 $1.442695020e+00, v0  }
0x2db: {  	v5 =	vadd.s32 $0x87, v18;
	v12 =	vor.u32 v28, v23;
	v2 =	vld.idx.msk [tilespmem:v2+s17+$0x0], $0xffff;
	v6 =	vmul.f32 $2.500000000e-01, v6  }
0x2dc: {  	v55 =	vadd.s32 v52, v26;
	v14 =	vadd.s32 v52, v18;
	v8 =	vmul.f32 $2.500000000e-01, v8  }
0x2dd: {  	v16 =	vor.u32 v28, v22;
	v4 =	vmul.f32 v11, v4;
	v6 =	vmul.f32 $1.442695020e+00, v6  }
0x2de: {  	v56 =	vor.u32 v28, v7;
	v10 =	vld.idx.msk [tilespmem:v10+s17+$0x0], $0xffff;
	(erf) = vpow2.f32 v0;
	v8 =	vmul.f32 $1.442695020e+00, v8;
	v0, _, _ =	vpop (xrf2)  }
0x2df: {  	(erf) = vpow2.f32 v6;
	v6 =	vadd.s32 $0x87, v26;
	v0 =	vperm.xlane v0, v9  }
0x2e0: {  	v2 =	vmul.f32 v35, v2;
	(erf) = vpow2.f32 v8;
	v8 =	vld.idx.msk [tilespmem:v12+s17+$0x0], $0xffff;
	v12 =	vadd.s32 v52, v19  }
0x2e1: {  	[tilespmem:v14+s19+$0x0] =	vst.idx.msk $0xffff, v4;
	v4 =	vadd.s32 $0x87, v19;
	v14 =	vor.u32 v28, v32;
	v57, _, _ =	vpop (xrf2);
	v0 =	vmul.f32 $2.500000000e-01, v0  }
0x2e2: {  	v16 =	vld.idx.msk [tilespmem:v16+s17+$0x0], $0xffff;
	[tilespmem:v5+s19+$0x0] =	vst.idx.msk $0x1, v11;
	v5 =	vadd.s32 v52, v29;
	v23 =	vperm.xlane v57, v9  }
0x2e3: {  	v10 =	vmul.f32 v34, v10;
	[tilespmem:v55+s19+$0x0] =	vst.idx.msk $0xffff, v2;
	v0 =	vmul.f32 $1.442695020e+00, v0  }
0x2e4: {  	v60 =	vor.u32 v28, v62;
	v2 =	vadd.s32 $0x87, v29;
	v59 =	vmul.f32 $2.500000000e-01, v23;
	[tilespmem:v6+s19+$0x0] =	vst.idx.msk $0x1, v35;
	v6 =	vld.idx.msk [tilespmem:v56+s17+$0x0], $0xffff  }
0x2e5: {  	[tilespmem:v12+s19+$0x0] =	vst.idx.msk $0xffff, v10;
	v8 =	vmul.f32 v3, v8;
	(erf) = vpow2.f32 v0;
	v0 =	vadd.s32 v52, v61  }
0x2e6: {  	v10 =	vadd.s32 $0x87, v61;
	v12 =	vor.u32 v28, v37;
	v19 =	vmul.f32 $1.442695020e+00, v59;
	[tilespmem:v4+s19+$0x0] =	vst.idx.msk $0x1, v34  }
0x2e7: {  	v4 =	vld.idx.msk [tilespmem:v14+s17+$0x0], $0xffff;
	v14 =	vadd.s32 v52, v58;
	[tilespmem:v5+s19+$0x0] =	vst.idx.msk $0xffff, v8;
	v8 =	vmul.f32 v17, v16  }
0x2e8: {  	v16 =	vor.u32 v28, v38;
	v5 =	vadd.s32 $0x87, v58;
	(erf) = vpow2.f32 v19  }
0x2e9: {  	v62 =	vadd.s32 v52, v39;
	v18 =	vld.idx.msk [tilespmem:v60+s17+$0x0], $0xffff;
	[tilespmem:v2+s19+$0x0] =	vst.idx.msk $0x1, v3;
	v2 =	vpop (erf)  }
0x2ea: {  	[tilespmem:v0+s19+$0x0] =	vst.idx.msk $0xffff, v8;
	v0 =	vmul.f32 v2, v6;
	v6 =	vadd.s32 $0x87, v39  }
0x2eb: {  	v8 =	vpop (erf);
	[tilespmem:v10+s19+$0x0] =	vst.idx.msk $0x1, v17;
	v10 =	vld.idx.msk [tilespmem:v12+s17+$0x0], $0xffff;
	v12 =	vadd.s32 v52, v44  }
0x2ec: {  	v4 =	vmul.f32 v8, v4;
	[tilespmem:v14+s19+$0x0] =	vst.idx.msk $0xffff, v0;
	v0 =	vadd.s32 $0x87, v44  }
0x2ed: {  	v14 =	vld.idx.msk [tilespmem:v16+s17+$0x0], $0xffff;
	v16 =	vadd.s32 v52, v45;
	[tilespmem:v5+s19+$0x0] =	vst.idx.msk $0x1, v2;
	v2 =	vpop (erf)  }
0x2ee: {  	[tilespmem:v62+s19+$0x0] =	vst.idx.msk $0xffff, v4;
	v4 =	vadd.s32 $0x87, v45;
	v3 =	vmul.f32 v2, v18  }
0x2ef: {  	[tilespmem:v6+s19+$0x0] =	vst.idx.msk $0x1, v8;
	v6 =	vadd.s32 v52, v46;
	v8 =	vpop (erf)  }
0x2f0: {  	[tilespmem:v12+s19+$0x0] =	vst.idx.msk $0xffff, v3;
	v12 =	vadd.s32 $0x87, v46;
	v10 =	vmul.f32 v8, v10  }
0x2f1: {  	[tilespmem:v0+s19+$0x0] =	vst.idx.msk $0x1, v2;
	v0 =	vpop (erf)  }
0x2f2: {  	[tilespmem:v16+s19+$0x0] =	vst.idx.msk $0xffff, v10;
	v2 =	vmul.f32 v0, v14  }
0x2f3: {  	s20 =	sadd.s32 $0x1, s20;
	[tilespmem:v4+s19+$0x0] =	vst.idx.msk $0x1, v8  }
0x2f4: {  	p0 =	sne.s32 s20, $0x7D;
	[tilespmem:v6+s19+$0x0] =	vst.idx.msk $0xffff, v2  }
.Ltmp1:
0x2f5: {  	[tilespmem:v12+s19+$0x0] =	vst.idx.msk $0x1, v0;
	(pc) =	sbr.rel @p0 .LBB2_2-.Ltmp1, $4  }
0x2f6: {  	[spmem:s3] =	stream.indirect.scatter.add.f32 [tilespmem:s19], [sflag:$0x2], $0x88, s14, s14, $0xb8;
	[tilespmem:$0x1EF28] =	vst v63  }
0x2f7: {  	_ =	swait.ge [sflag:s13], $0x2A80  }
0x2f8: {  	[sflag:s13] =	ssyncset.done $0x0  }
0x2f9: {  	v7 =	vmovc v36;
	v4 =	vmovc v25;
	v8 =	vmov v50;
	v6 =	vmov v30;
	v0 =	vlaneseq.u32;
	v2 =	vld [tilespmem:$0x1FF80];
	[sflag:s13] =	ssyncadd.s32 $0xFFFFD580  }
0x2fa: {  	s4 =	sadd.s32 $0x1, s4  }
0x2fb: {  	p0 =	sne.s32 s4, s11  }
.Ltmp2:
0x2fc: {  	[bflag:$0x0] =	sbarrier.arrive $0xFFFF;
	(pc) =	sbr.rel @p0 .LBB2_1-.Ltmp2, $4  }
0x2fd: {  	[hbm:s10], [sflag:s8] =	dma.local [spmem:s12], $0x2981  }
0x2fe: {  	_ =	swait.ge [sflag:s13], $0x2981  }
0x2ff: {  	[sflag:s13] =	ssyncset.done $0x0  }
0x300: {  	[sflag:s13] =	ssyncadd.s32 $0xFFFFD67F  }
0x301: {  	_ =	sfence.sel $0x180000  }
0x302: {  	[bflag:$0x0] =	sbarrier.arrive $0xFFFF  }
0x303: {  	p0 =	sne.s32 s2, $0x0;
	_ =	strace $0x90000047  }
0x304: {  	s0 =	sadd.s32 @!p0 $0x100000, s0;
	[bflag:$0x2] =	sbarrier.arrive $0xFFFF  }
0x305: {  	[sflag:s0] =	ssyncadd.tile.s32 @!p0 $0x1;
	_ =	shalt  }
.Lfunc_end2:
_tile_overlayer_lowered:
.L_overlay_start_2:
0x306: {  	(tag) =	ssettag $0x2  }
0x307: {  	s0 =	rddreg [dreg:$0x0];
	s2 =	stileid.u32  }
0x308: {  	s1 =	rddreg [dreg:$0x1];
	p0 =	sne.s32 s2, $0x0  }
0x309: {  	s3 =	rddreg [dreg:$0x2];
	[bflag:$0x3] =	sbarrier.arrive $0xFFFF;
	s2 =	simm.s32 @!p0 $0x1C02  }
0x30a: {  	[timem:s3], [sflag:s2] =	dma.local @!p0 [hbm:s0], s1  }
0x30b: {  	s0 =	simm.s32 @!p0 $0x2  }
0x30c: {  	_ =	swait.ge @!p0 [sflag:s0], s1  }
0x30d: {  	s1 =	ssub.s32 @!p0 $0x0, s1;
	[sflag:s0] =	ssyncset.done @!p0 $0x0  }
0x30e: {  	[sflag:s0] =	ssyncadd.s32 @!p0 s1  }
0x30f: {  	[bflag:$0x3] =	sbarrier.arrive $0xFFFF  }
0x310: {  	_ =	shalt  }

</sc_bundles>
